<compile_context>
chip_gen: v7x
topology: tpu7x:2x2x1
jax: 0.10.2.dev20260603
libtpu: 0.0.44.dev20260713+nightly
codegen_flags: <defaults>
</compile_context>

<pallas_src>
import functools

import jax
import jax.numpy as jnp
from jax import lax
from jax.experimental import pallas as pl
from jax.experimental.pallas import tpu as pltpu
from jax.experimental.pallas import tpu_sc as plsc


def _make_sc_kernel(n_rows, d, l_n, seg_n, chunk, stage_rows):
    info = plsc.get_sparse_core_info()
    nw = info.num_cores * info.num_subcores
    lanes = info.num_lanes
    assert n_rows % (nw * chunk) == 0
    per_w = n_rows // nw
    n_chunks = per_w // chunk
    assert (n_chunks - 2) % 4 == 0 and chunk <= 128 and chunk % 8 == 0
    assert stage_rows % 8 == 0 and l_n >= stage_rows
    mesh = plsc.VectorSubcoreMesh(core_axis_name="c", subcore_axis_name="s")

    @functools.partial(
        pl.kernel,
        mesh=mesh,
        out_type=jax.ShapeDtypeStruct((n_rows, d), jnp.float32),
        scratch_types=[
            pltpu.VMEM((n_chunks, chunk), jnp.int32),
            pltpu.VMEM((n_chunks, chunk), jnp.int32),
            pltpu.VMEM_SHARED((seg_n * l_n, d), jnp.float32),
            pltpu.VMEM((stage_rows, d), jnp.float32),
            pltpu.VMEM((seg_n, d), jnp.float32),
            pltpu.VMEM((stage_rows, d), jnp.float32),
            pltpu.VMEM((chunk, d), jnp.float32),
            pltpu.VMEM((chunk, d), jnp.float32),
            pltpu.VMEM((chunk, d), jnp.float32),
            pltpu.VMEM((chunk, d), jnp.float32),
            pltpu.SemaphoreType.DMA,
            pltpu.SemaphoreType.DMA,
            pltpu.SemaphoreType.DMA,
            pltpu.SemaphoreType.DMA,
            pltpu.SemaphoreType.DMA,
            pltpu.SemaphoreType.DMA,
            pltpu.SemaphoreType.DMA,
            pltpu.SemaphoreType.DMA,
            pltpu.SemaphoreType.DMA,
            pltpu.SemaphoreType.DMA,
            pltpu.SemaphoreType.DMA,
            pltpu.SemaphoreType.DMA,
        ],
    )
    def sc_kernel(seq_hbm, seg_hbm, tok_hbm, segtab_hbm, pe_hbm, out_hbm,
                  seqi_v, idx2_v, spe_sh, pe_v, segt_v, stage_v,
                  x0, x1, x2, x3,
                  st0, st1, st2, st3, ss0, ss1, ss2, ss3, so0, so1, so2, so3):
        sid = lax.axis_index("s")
        wid = sid * info.num_cores + lax.axis_index("c")
        base = wid * per_w
        xbufs = (x0, x1, x2, x3)
        sems_t, sems_s, sems_o = (st0, st1, st2, st3), (ss0, ss1, ss2, ss3), (so0, so1, so2, so3)

        pltpu.sync_copy(seq_hbm.at[wid], seqi_v)
        pltpu.make_async_copy(tok_hbm.at[seqi_v.at[0]], xbufs[0], sems_t[0]).start()
        pltpu.make_async_copy(tok_hbm.at[seqi_v.at[1]], xbufs[1], sems_t[1]).start()

        lstart = pl.multiple_of(jnp.minimum(sid * stage_rows, l_n - stage_rows), 8)
        pltpu.sync_copy(pe_hbm.at[pl.ds(lstart, stage_rows)], pe_v)
        pltpu.sync_copy(segtab_hbm, segt_v)
        for s in range(seg_n):
            def stage_body(j, carry):
                for c in range(d // lanes):
                    sl = pl.ds(c * lanes, lanes)
                    stage_v[j, sl] = pe_v[j, sl] + segt_v[s, sl]
                return carry

            lax.fori_loop(0, stage_rows, stage_body, 0)
            dst = pl.multiple_of(s * l_n + lstart, 8)
            pltpu.sync_copy(stage_v, spe_sh.at[pl.ds(dst, stage_rows)])

        pltpu.sync_copy(seg_hbm.at[wid], idx2_v)

        def idx_body(i, carry):
            for j in range(chunk // lanes):
                sl = pl.ds(j * lanes, lanes)
                flat = (base + i * chunk + j * lanes) + lax.iota(jnp.int32, lanes)
                idx2_v[i, sl] = idx2_v[i, sl] * l_n + flat % l_n
            return carry

        lax.fori_loop(0, n_chunks, idx_body, 0)
        plsc.subcore_barrier()

        def tok_dma(g, k):
            return pltpu.make_async_copy(tok_hbm.at[seqi_v.at[g]], xbufs[k], sems_t[k])

        def spe_add_start(g, k):
            return pltpu.async_copy(
                spe_sh.at[idx2_v.at[g]], xbufs[k], sems_s[k], add=True)

        def spe_wait(g, k):
            pltpu.make_async_copy(spe_sh.at[idx2_v.at[g]], xbufs[k], sems_s[k]).wait()

        def out_dma(g, k):
            return pltpu.make_async_copy(
                xbufs[k], out_hbm.at[pl.ds(base + g * chunk, chunk)], sems_o[k])

        def iter_body(t, carry):
            for k in range(4):
                g = 4 * t + k
                tok_dma(g, k).wait()
                spe_add_start(g, k)

                @pl.when(g >= 2)
                def _drain_out():
                    out_dma(g - 2, (k - 2) % 4).wait()

                @pl.when(g + 2 < n_chunks)
                def _prefetch():
                    tok_dma(g + 2, (k + 2) % 4).start()

                spe_wait(g, k)
                out_dma(g, k).start()
            return carry

        lax.fori_loop(0, (n_chunks - 2) // 4, iter_body, 0)
        for g in (n_chunks - 2, n_chunks - 1):
            k = g % 4
            tok_dma(g, k).wait()
            spe_add_start(g, k)
            out_dma(g - 2, (k - 2) % 4).wait()
            spe_wait(g, k)
            out_dma(g, k).start()
        out_dma(n_chunks - 2, (n_chunks - 2) % 4).wait()
        out_dma(n_chunks - 1, (n_chunks - 1) % 4).wait()

    return sc_kernel


def kernel(sequence, segment, token_table, seg_table, pe):
    b, l_n = sequence.shape
    d = token_table.shape[1]
    seg_n = seg_table.shape[0]
    n_rows = b * l_n
    chunk = 128

    nw = 32
    seq3d = sequence.reshape(nw, n_rows // (nw * chunk), chunk).astype(jnp.int32)
    seg3d = segment.reshape(nw, n_rows // (nw * chunk), chunk).astype(jnp.int32)
    pe2d = pe[0, :l_n]

    sc = _make_sc_kernel(n_rows, d, l_n, seg_n, chunk, stage_rows=16)
    out_flat = sc(seq3d, seg3d, token_table, seg_table, pe2d)
    return out_flat.reshape(b, l_n, d)

# --- scband reference (transcript-rebuilt; emitter-appended) ---
"""Pipeline reference for scband-bertembedding-52673478918178 (READ-ONLY COPY).

The authoritative reference and input builder live on the scoring server;
editing this copy changes nothing except your own understanding.
"""

import math
import jax, jax.numpy as jnp
import numpy as np

VOCAB = 100000
SEG = 3
D = 128
MAX_LEN = 512
B = 1024
L = 200
PAD_IDX = 0


def _make_pe():
    pe = np.zeros((MAX_LEN, D), dtype=np.float32)
    position = np.arange(0, MAX_LEN, dtype=np.float32)[:, None]
    div_term = np.exp(np.arange(0, D, 2, dtype=np.float32) * -(math.log(10000.0) / D))
    pe[:, 0::2] = np.sin(position * div_term)
    pe[:, 1::2] = np.cos(position * div_term)
    return jnp.asarray(pe)[None, :, :]  # (1, MAX_LEN, D)


def setup_inputs(seed: int = 0) -> dict:
    key = jax.random.key(seed)
    k1, k2, k3, k4 = jax.random.split(key, 4)
    sequence = jax.random.randint(k1, (B, L), 0, VOCAB, dtype=jnp.int64) if jax.config.jax_enable_x64 else jax.random.randint(k1, (B, L), 0, VOCAB, dtype=jnp.int32)
    segment = jax.random.randint(k2, (B, L), 0, SEG, dtype=jnp.int32)
    token_table = jax.random.normal(k3, (VOCAB, D), dtype=jnp.float32) * 0.02
    token_table = token_table.at[PAD_IDX].set(0.0)  # padding_idx row zeroed
    seg_table = jax.random.normal(k4, (SEG, D), dtype=jnp.float32) * 0.02
    seg_table = seg_table.at[PAD_IDX].set(0.0)
    pe = _make_pe()
    return {"sequence": sequence, "segment": segment, "token_table": token_table, "seg_table": seg_table, "pe": pe}


def reference(sequence, segment, token_table, seg_table, pe):
    L_cur = sequence.shape[1]
    tok = jnp.take(token_table, sequence, axis=0)          # (B, L, D) gather
    pos = pe[:, :L_cur]                                     # (1, L, D) buffer slice
    seg = jnp.take(seg_table, segment, axis=0)              # (B, L, D) gather
    out = tok + pos + seg
    # dropout is identity in eval mode
    return out

if __name__ == "__main__":
    import jax
    _d = setup_inputs()
    print(jax.jit(kernel)(*tuple(_d.values())))

</pallas_src>

<mosaic_0001>
#map = affine_map<(d0, d1) -> (0, 0, 0)>
#map1 = affine_map<(d0, d1) -> (0, 0)>
module attributes {stable_mosaic.version = 14 : i64} {
  func.func @sc_kernel(%arg0: i32, %arg1: i32, %arg2: memref<32x50x128xi32, #tpu.memory_space<hbm>>, %arg3: memref<32x50x128xi32, #tpu.memory_space<hbm>>, %arg4: memref<100000x128xf32, #tpu.memory_space<hbm>>, %arg5: memref<3x128xf32, #tpu.memory_space<hbm>>, %arg6: memref<200x128xf32, #tpu.memory_space<hbm>>, %arg7: memref<204800x128xf32, #tpu.memory_space<hbm>>, %arg8: memref<50x128xi32, #tpu.memory_space<vmem>>, %arg9: memref<50x128xi32, #tpu.memory_space<vmem>>, %arg10: memref<600x128xf32, #tpu.memory_space<vmem_shared>>, %arg11: memref<16x128xf32, #tpu.memory_space<vmem>>, %arg12: memref<3x128xf32, #tpu.memory_space<vmem>>, %arg13: memref<16x128xf32, #tpu.memory_space<vmem>>, %arg14: memref<128x128xf32, #tpu.memory_space<vmem>>, %arg15: memref<128x128xf32, #tpu.memory_space<vmem>>, %arg16: memref<128x128xf32, #tpu.memory_space<vmem>>, %arg17: memref<128x128xf32, #tpu.memory_space<vmem>>, %arg18: memref<!tpu.dma_semaphore, #tpu.memory_space<semaphore_mem>>, %arg19: memref<!tpu.dma_semaphore, #tpu.memory_space<semaphore_mem>>, %arg20: memref<!tpu.dma_semaphore, #tpu.memory_space<semaphore_mem>>, %arg21: memref<!tpu.dma_semaphore, #tpu.memory_space<semaphore_mem>>, %arg22: memref<!tpu.dma_semaphore, #tpu.memory_space<semaphore_mem>>, %arg23: memref<!tpu.dma_semaphore, #tpu.memory_space<semaphore_mem>>, %arg24: memref<!tpu.dma_semaphore, #tpu.memory_space<semaphore_mem>>, %arg25: memref<!tpu.dma_semaphore, #tpu.memory_space<semaphore_mem>>, %arg26: memref<!tpu.dma_semaphore, #tpu.memory_space<semaphore_mem>>, %arg27: memref<!tpu.dma_semaphore, #tpu.memory_space<semaphore_mem>>, %arg28: memref<!tpu.dma_semaphore, #tpu.memory_space<semaphore_mem>>, %arg29: memref<!tpu.dma_semaphore, #tpu.memory_space<semaphore_mem>>) attributes {dimension_semantics = [#tpu.dimension_semantics<core_parallel>, #tpu.dimension_semantics<subcore_parallel>], iteration_bounds = array<i64: 2, 16>, scalar_prefetch = 0 : i64, scratch_operands = 22 : i64, tpu.core_type = #tpu.core_type<sc_vector_subcore>, window_params = [{transform_indices = #map}, {transform_indices = #map}, {transform_indices = #map1}, {transform_indices = #map1}, {transform_indices = #map1}, {transform_indices = #map1}]} {
    %mul3A = arith.constant 2 : i32
    %mul3A_0 = arith.muli %arg1, %mul3A : i32
    %add3A = arith.addi %mul3A_0, %arg0 : i32
    %mul3A_1 = arith.constant 6400 : i32
    %mul3A_2 = arith.muli %add3A, %mul3A_1 : i32
    "tpu.region"() ({
      %run_scoped3A = tpu.sem_alloc : memref<!tpu.dma_semaphore, #tpu.memory_space<semaphore_mem>>
      %dma_start3A_134 = arith.constant 0 : i32
      %dma_start3A_135 = arith.constant 0 : i32
      %dma_start3A_136 = tpu.memref_slice %arg2[%add3A, %dma_start3A_134, %dma_start3A_135] : memref<32x50x128xi32, #tpu.memory_space<hbm>> -> memref<1x50x128xi32, #tpu.memory_space<hbm>>
      %dma_start3A_137 = tpu.memref_squeeze %dma_start3A_136 : memref<1x50x128xi32, #tpu.memory_space<hbm>> -> memref<50x128xi32, #tpu.memory_space<hbm>>
      %dma_start3A_138 = arith.constant 0 : i32
      %dma_start3A_139 = arith.constant 0 : i32
      %dma_start3A_140 = tpu.memref_slice %arg2[%add3A, %dma_start3A_138, %dma_start3A_139] : memref<32x50x128xi32, #tpu.memory_space<hbm>> -> memref<1x50x128xi32, #tpu.memory_space<hbm>>
      %dma_start3A_141 = tpu.memref_squeeze %dma_start3A_140 : memref<1x50x128xi32, #tpu.memory_space<hbm>> -> memref<50x128xi32, #tpu.memory_space<hbm>>
      tpu.enqueue_dma source(%dma_start3A_141 : memref<50x128xi32, #tpu.memory_space<hbm>>) target(%arg8 : memref<50x128xi32, #tpu.memory_space<vmem>>) target_semaphore(%run_scoped3A : memref<!tpu.dma_semaphore, #tpu.memory_space<semaphore_mem>>)
      %dma_wait3A_142 = arith.constant 0 : i32
      %dma_wait3A_143 = arith.constant 0 : i32
      %dma_wait3A_144 = tpu.memref_slice %arg2[%add3A, %dma_wait3A_142, %dma_wait3A_143] : memref<32x50x128xi32, #tpu.memory_space<hbm>> -> memref<1x50x128xi32, #tpu.memory_space<hbm>>
      %dma_wait3A_145 = tpu.memref_squeeze %dma_wait3A_144 : memref<1x50x128xi32, #tpu.memory_space<hbm>> -> memref<50x128xi32, #tpu.memory_space<hbm>>
      %dma_wait3A_146 = arith.constant 0 : i32
      %dma_wait3A_147 = arith.constant 0 : i32
      %dma_wait3A_148 = tpu.memref_slice %arg2[%add3A, %dma_wait3A_146, %dma_wait3A_147] : memref<32x50x128xi32, #tpu.memory_space<hbm>> -> memref<1x50x128xi32, #tpu.memory_space<hbm>>
      %dma_wait3A_149 = tpu.memref_squeeze %dma_wait3A_148 : memref<1x50x128xi32, #tpu.memory_space<hbm>> -> memref<50x128xi32, #tpu.memory_space<hbm>>
      tpu.wait_dma2 semaphore(%run_scoped3A : memref<!tpu.dma_semaphore, #tpu.memory_space<semaphore_mem>>) src(%dma_wait3A_149 : memref<50x128xi32, #tpu.memory_space<hbm>>) dst(%arg8 : memref<50x128xi32, #tpu.memory_space<vmem>>)
      tpu.yield
    }) : () -> ()
    %dma_start3A = arith.constant 0 : i32
    %dma_start3A_3 = arith.constant 0 : i32
    %dma_start3A_4 = tpu.memref_slice %arg8[%dma_start3A, %dma_start3A_3] : memref<50x128xi32, #tpu.memory_space<vmem>> -> memref<1x128xi32, #tpu.memory_space<vmem>>
    %dma_start3A_5 = tpu.memref_squeeze %dma_start3A_4 : memref<1x128xi32, #tpu.memory_space<vmem>> -> memref<128xi32, #tpu.memory_space<vmem>>
    %dma_start3A_6 = arith.constant 0 : i32
    %dma_start3A_7 = arith.constant 0 : i32
    %dma_start3A_8 = tpu.memref_slice %arg4[%dma_start3A_6, %dma_start3A_7] : memref<100000x128xf32, #tpu.memory_space<hbm>> -> memref<100000x128xf32, #tpu.memory_space<hbm>>
    tpu.enqueue_indirect_dma source(%dma_start3A_8 : memref<100000x128xf32, #tpu.memory_space<hbm>>) target(%arg14 : memref<128x128xf32, #tpu.memory_space<vmem>>) offsets(%dma_start3A_5 : memref<128xi32, #tpu.memory_space<vmem>>) semaphore(%arg18 : memref<!tpu.dma_semaphore, #tpu.memory_space<semaphore_mem>>)
    %dma_start3A_9 = arith.constant 1 : i32
    %dma_start3A_10 = arith.constant 0 : i32
    %dma_start3A_11 = tpu.memref_slice %arg8[%dma_start3A_9, %dma_start3A_10] : memref<50x128xi32, #tpu.memory_space<vmem>> -> memref<1x128xi32, #tpu.memory_space<vmem>>
    %dma_start3A_12 = tpu.memref_squeeze %dma_start3A_11 : memref<1x128xi32, #tpu.memory_space<vmem>> -> memref<128xi32, #tpu.memory_space<vmem>>
    %dma_start3A_13 = arith.constant 0 : i32
    %dma_start3A_14 = arith.constant 0 : i32
    %dma_start3A_15 = tpu.memref_slice %arg4[%dma_start3A_13, %dma_start3A_14] : memref<100000x128xf32, #tpu.memory_space<hbm>> -> memref<100000x128xf32, #tpu.memory_space<hbm>>
    tpu.enqueue_indirect_dma source(%dma_start3A_15 : memref<100000x128xf32, #tpu.memory_space<hbm>>) target(%arg15 : memref<128x128xf32, #tpu.memory_space<vmem>>) offsets(%dma_start3A_12 : memref<128xi32, #tpu.memory_space<vmem>>) semaphore(%arg19 : memref<!tpu.dma_semaphore, #tpu.memory_space<semaphore_mem>>)
    %mul3A_16 = arith.constant 16 : i32
    %mul3A_17 = arith.muli %arg1, %mul3A_16 : i32
    %min3A = arith.constant 184 : i32
    %min3A_18 = arith.minsi %mul3A_17, %min3A : i32
    %multiple_of3A = tpu.assume_multiple %min3A_18, 8 : i32
    "tpu.region"() ({
      %run_scoped3A = tpu.sem_alloc : memref<!tpu.dma_semaphore, #tpu.memory_space<semaphore_mem>>
      %dma_start3A_134 = arith.constant 0 : i32
      %dma_start3A_135 = tpu.memref_slice %arg6[%multiple_of3A, %dma_start3A_134] : memref<200x128xf32, #tpu.memory_space<hbm>> -> memref<16x128xf32, #tpu.memory_space<hbm>>
      %dma_start3A_136 = arith.constant 0 : i32
      %dma_start3A_137 = tpu.memref_slice %arg6[%multiple_of3A, %dma_start3A_136] : memref<200x128xf32, #tpu.memory_space<hbm>> -> memref<16x128xf32, #tpu.memory_space<hbm>>
      tpu.enqueue_dma source(%dma_start3A_137 : memref<16x128xf32, #tpu.memory_space<hbm>>) target(%arg11 : memref<16x128xf32, #tpu.memory_space<vmem>>) target_semaphore(%run_scoped3A : memref<!tpu.dma_semaphore, #tpu.memory_space<semaphore_mem>>)
      %dma_wait3A_138 = arith.constant 0 : i32
      %dma_wait3A_139 = tpu.memref_slice %arg6[%multiple_of3A, %dma_wait3A_138] : memref<200x128xf32, #tpu.memory_space<hbm>> -> memref<16x128xf32, #tpu.memory_space<hbm>>
      %dma_wait3A_140 = arith.constant 0 : i32
      %dma_wait3A_141 = tpu.memref_slice %arg6[%multiple_of3A, %dma_wait3A_140] : memref<200x128xf32, #tpu.memory_space<hbm>> -> memref<16x128xf32, #tpu.memory_space<hbm>>
      tpu.wait_dma2 semaphore(%run_scoped3A : memref<!tpu.dma_semaphore, #tpu.memory_space<semaphore_mem>>) src(%dma_wait3A_141 : memref<16x128xf32, #tpu.memory_space<hbm>>) dst(%arg11 : memref<16x128xf32, #tpu.memory_space<vmem>>)
      tpu.yield
    }) : () -> ()
    "tpu.region"() ({
      %run_scoped3A = tpu.sem_alloc : memref<!tpu.dma_semaphore, #tpu.memory_space<semaphore_mem>>
      tpu.enqueue_dma source(%arg5 : memref<3x128xf32, #tpu.memory_space<hbm>>) target(%arg12 : memref<3x128xf32, #tpu.memory_space<vmem>>) target_semaphore(%run_scoped3A : memref<!tpu.dma_semaphore, #tpu.memory_space<semaphore_mem>>)
      tpu.wait_dma2 semaphore(%run_scoped3A : memref<!tpu.dma_semaphore, #tpu.memory_space<semaphore_mem>>) src(%arg5 : memref<3x128xf32, #tpu.memory_space<hbm>>) dst(%arg12 : memref<3x128xf32, #tpu.memory_space<vmem>>)
      tpu.yield
    }) : () -> ()
    %scan3A = arith.constant 0 : i32
    %scan3A_19 = arith.constant 0 : i32
    %scan3A_20 = arith.constant 16 : i32
    %scan3A_21 = arith.addi %scan3A_19, %scan3A_20 : i32
    %scan3A_22 = arith.constant 1 : i32
    scf.for %scan3A_134 = %scan3A_19 to %scan3A_21 step %scan3A_22  : i32 {
      %get3A = arith.index_cast %scan3A_134 : i32 to index
      %get3A_135 = arith.constant 0 : index
      %get3A_136 = tpu.vector_load %arg11[%get3A, %get3A_135] {strides = array<i32>} : memref<16x128xf32, #tpu.memory_space<vmem>>, vector<1x16xf32>,
      %get3A_137 = vector.shape_cast %get3A_136 : vector<1x16xf32> to vector<16xf32>
      %get3A_138 = arith.constant 0 : i32
      %get3A_139 = arith.index_cast %get3A_138 : i32 to index
      %get3A_140 = arith.constant 0 : index
      %get3A_141 = tpu.vector_load %arg12[%get3A_139, %get3A_140] {strides = array<i32>} : memref<3x128xf32, #tpu.memory_space<vmem>>, vector<1x16xf32>,
      %get3A_142 = vector.shape_cast %get3A_141 : vector<1x16xf32> to vector<16xf32>
      %add3A_143 = arith.addf %get3A_137, %get3A_142 : vector<16xf32>
      %swap3A = arith.index_cast %scan3A_134 : i32 to index
      %swap3A_144 = arith.constant 0 : index
      %swap3A_145 = tpu.vector_load %arg13[%swap3A, %swap3A_144] {strides = array<i32>} : memref<16x128xf32, #tpu.memory_space<vmem>>, vector<1x16xf32>,
      %swap3A_146 = vector.shape_cast %swap3A_145 : vector<1x16xf32> to vector<16xf32>
      %swap3A_147 = vector.shape_cast %add3A_143 : vector<16xf32> to vector<1x16xf32>
      tpu.vector_store %arg13[%swap3A, %swap3A_144], %swap3A_147 {strides = array<i32>} : memref<16x128xf32, #tpu.memory_space<vmem>>, vector<1x16xf32>,
      %get3A_148 = arith.index_cast %scan3A_134 : i32 to index
      %get3A_149 = arith.constant 16 : index
      %get3A_150 = tpu.vector_load %arg11[%get3A_148, %get3A_149] {strides = array<i32>} : memref<16x128xf32, #tpu.memory_space<vmem>>, vector<1x16xf32>,
      %get3A_151 = vector.shape_cast %get3A_150 : vector<1x16xf32> to vector<16xf32>
      %get3A_152 = arith.constant 0 : i32
      %get3A_153 = arith.index_cast %get3A_152 : i32 to index
      %get3A_154 = arith.constant 16 : index
      %get3A_155 = tpu.vector_load %arg12[%get3A_153, %get3A_154] {strides = array<i32>} : memref<3x128xf32, #tpu.memory_space<vmem>>, vector<1x16xf32>,
      %get3A_156 = vector.shape_cast %get3A_155 : vector<1x16xf32> to vector<16xf32>
      %add3A_157 = arith.addf %get3A_151, %get3A_156 : vector<16xf32>
      %swap3A_158 = arith.index_cast %scan3A_134 : i32 to index
      %swap3A_159 = arith.constant 16 : index
      %swap3A_160 = tpu.vector_load %arg13[%swap3A_158, %swap3A_159] {strides = array<i32>} : memref<16x128xf32, #tpu.memory_space<vmem>>, vector<1x16xf32>,
      %swap3A_161 = vector.shape_cast %swap3A_160 : vector<1x16xf32> to vector<16xf32>
      %swap3A_162 = vector.shape_cast %add3A_157 : vector<16xf32> to vector<1x16xf32>
      tpu.vector_store %arg13[%swap3A_158, %swap3A_159], %swap3A_162 {strides = array<i32>} : memref<16x128xf32, #tpu.memory_space<vmem>>, vector<1x16xf32>,
      %get3A_163 = arith.index_cast %scan3A_134 : i32 to index
      %get3A_164 = arith.constant 32 : index
      %get3A_165 = tpu.vector_load %arg11[%get3A_163, %get3A_164] {strides = array<i32>} : memref<16x128xf32, #tpu.memory_space<vmem>>, vector<1x16xf32>,
      %get3A_166 = vector.shape_cast %get3A_165 : vector<1x16xf32> to vector<16xf32>
      %get3A_167 = arith.constant 0 : i32
      %get3A_168 = arith.index_cast %get3A_167 : i32 to index
      %get3A_169 = arith.constant 32 : index
      %get3A_170 = tpu.vector_load %arg12[%get3A_168, %get3A_169] {strides = array<i32>} : memref<3x128xf32, #tpu.memory_space<vmem>>, vector<1x16xf32>,
      %get3A_171 = vector.shape_cast %get3A_170 : vector<1x16xf32> to vector<16xf32>
      %add3A_172 = arith.addf %get3A_166, %get3A_171 : vector<16xf32>
      %swap3A_173 = arith.index_cast %scan3A_134 : i32 to index
      %swap3A_174 = arith.constant 32 : index
      %swap3A_175 = tpu.vector_load %arg13[%swap3A_173, %swap3A_174] {strides = array<i32>} : memref<16x128xf32, #tpu.memory_space<vmem>>, vector<1x16xf32>,
      %swap3A_176 = vector.shape_cast %swap3A_175 : vector<1x16xf32> to vector<16xf32>
      %swap3A_177 = vector.shape_cast %add3A_172 : vector<16xf32> to vector<1x16xf32>
      tpu.vector_store %arg13[%swap3A_173, %swap3A_174], %swap3A_177 {strides = array<i32>} : memref<16x128xf32, #tpu.memory_space<vmem>>, vector<1x16xf32>,
      %get3A_178 = arith.index_cast %scan3A_134 : i32 to index
      %get3A_179 = arith.constant 48 : index
      %get3A_180 = tpu.vector_load %arg11[%get3A_178, %get3A_179] {strides = array<i32>} : memref<16x128xf32, #tpu.memory_space<vmem>>, vector<1x16xf32>,
      %get3A_181 = vector.shape_cast %get3A_180 : vector<1x16xf32> to vector<16xf32>
      %get3A_182 = arith.constant 0 : i32
      %get3A_183 = arith.index_cast %get3A_182 : i32 to index
      %get3A_184 = arith.constant 48 : index
      %get3A_185 = tpu.vector_load %arg12[%get3A_183, %get3A_184] {strides = array<i32>} : memref<3x128xf32, #tpu.memory_space<vmem>>, vector<1x16xf32>,
      %get3A_186 = vector.shape_cast %get3A_185 : vector<1x16xf32> to vector<16xf32>
      %add3A_187 = arith.addf %get3A_181, %get3A_186 : vector<16xf32>
      %swap3A_188 = arith.index_cast %scan3A_134 : i32 to index
      %swap3A_189 = arith.constant 48 : index
      %swap3A_190 = tpu.vector_load %arg13[%swap3A_188, %swap3A_189] {strides = array<i32>} : memref<16x128xf32, #tpu.memory_space<vmem>>, vector<1x16xf32>,
      %swap3A_191 = vector.shape_cast %swap3A_190 : vector<1x16xf32> to vector<16xf32>
      %swap3A_192 = vector.shape_cast %add3A_187 : vector<16xf32> to vector<1x16xf32>
      tpu.vector_store %arg13[%swap3A_188, %swap3A_189], %swap3A_192 {strides = array<i32>} : memref<16x128xf32, #tpu.memory_space<vmem>>, vector<1x16xf32>,
      %get3A_193 = arith.index_cast %scan3A_134 : i32 to index
      %get3A_194 = arith.constant 64 : index
      %get3A_195 = tpu.vector_load %arg11[%get3A_193, %get3A_194] {strides = array<i32>} : memref<16x128xf32, #tpu.memory_space<vmem>>, vector<1x16xf32>,
      %get3A_196 = vector.shape_cast %get3A_195 : vector<1x16xf32> to vector<16xf32>
      %get3A_197 = arith.constant 0 : i32
      %get3A_198 = arith.index_cast %get3A_197 : i32 to index
      %get3A_199 = arith.constant 64 : index
      %get3A_200 = tpu.vector_load %arg12[%get3A_198, %get3A_199] {strides = array<i32>} : memref<3x128xf32, #tpu.memory_space<vmem>>, vector<1x16xf32>,
      %get3A_201 = vector.shape_cast %get3A_200 : vector<1x16xf32> to vector<16xf32>
      %add3A_202 = arith.addf %get3A_196, %get3A_201 : vector<16xf32>
      %swap3A_203 = arith.index_cast %scan3A_134 : i32 to index
      %swap3A_204 = arith.constant 64 : index
      %swap3A_205 = tpu.vector_load %arg13[%swap3A_203, %swap3A_204] {strides = array<i32>} : memref<16x128xf32, #tpu.memory_space<vmem>>, vector<1x16xf32>,
      %swap3A_206 = vector.shape_cast %swap3A_205 : vector<1x16xf32> to vector<16xf32>
      %swap3A_207 = vector.shape_cast %add3A_202 : vector<16xf32> to vector<1x16xf32>
      tpu.vector_store %arg13[%swap3A_203, %swap3A_204], %swap3A_207 {strides = array<i32>} : memref<16x128xf32, #tpu.memory_space<vmem>>, vector<1x16xf32>,
      %get3A_208 = arith.index_cast %scan3A_134 : i32 to index
      %get3A_209 = arith.constant 80 : index
      %get3A_210 = tpu.vector_load %arg11[%get3A_208, %get3A_209] {strides = array<i32>} : memref<16x128xf32, #tpu.memory_space<vmem>>, vector<1x16xf32>,
      %get3A_211 = vector.shape_cast %get3A_210 : vector<1x16xf32> to vector<16xf32>
      %get3A_212 = arith.constant 0 : i32
      %get3A_213 = arith.index_cast %get3A_212 : i32 to index
      %get3A_214 = arith.constant 80 : index
      %get3A_215 = tpu.vector_load %arg12[%get3A_213, %get3A_214] {strides = array<i32>} : memref<3x128xf32, #tpu.memory_space<vmem>>, vector<1x16xf32>,
      %get3A_216 = vector.shape_cast %get3A_215 : vector<1x16xf32> to vector<16xf32>
      %add3A_217 = arith.addf %get3A_211, %get3A_216 : vector<16xf32>
      %swap3A_218 = arith.index_cast %scan3A_134 : i32 to index
      %swap3A_219 = arith.constant 80 : index
      %swap3A_220 = tpu.vector_load %arg13[%swap3A_218, %swap3A_219] {strides = array<i32>} : memref<16x128xf32, #tpu.memory_space<vmem>>, vector<1x16xf32>,
      %swap3A_221 = vector.shape_cast %swap3A_220 : vector<1x16xf32> to vector<16xf32>
      %swap3A_222 = vector.shape_cast %add3A_217 : vector<16xf32> to vector<1x16xf32>
      tpu.vector_store %arg13[%swap3A_218, %swap3A_219], %swap3A_222 {strides = array<i32>} : memref<16x128xf32, #tpu.memory_space<vmem>>, vector<1x16xf32>,
      %get3A_223 = arith.index_cast %scan3A_134 : i32 to index
      %get3A_224 = arith.constant 96 : index
      %get3A_225 = tpu.vector_load %arg11[%get3A_223, %get3A_224] {strides = array<i32>} : memref<16x128xf32, #tpu.memory_space<vmem>>, vector<1x16xf32>,
      %get3A_226 = vector.shape_cast %get3A_225 : vector<1x16xf32> to vector<16xf32>
      %get3A_227 = arith.constant 0 : i32
      %get3A_228 = arith.index_cast %get3A_227 : i32 to index
      %get3A_229 = arith.constant 96 : index
      %get3A_230 = tpu.vector_load %arg12[%get3A_228, %get3A_229] {strides = array<i32>} : memref<3x128xf32, #tpu.memory_space<vmem>>, vector<1x16xf32>,
      %get3A_231 = vector.shape_cast %get3A_230 : vector<1x16xf32> to vector<16xf32>
      %add3A_232 = arith.addf %get3A_226, %get3A_231 : vector<16xf32>
      %swap3A_233 = arith.index_cast %scan3A_134 : i32 to index
      %swap3A_234 = arith.constant 96 : index
      %swap3A_235 = tpu.vector_load %arg13[%swap3A_233, %swap3A_234] {strides = array<i32>} : memref<16x128xf32, #tpu.memory_space<vmem>>, vector<1x16xf32>,
      %swap3A_236 = vector.shape_cast %swap3A_235 : vector<1x16xf32> to vector<16xf32>
      %swap3A_237 = vector.shape_cast %add3A_232 : vector<16xf32> to vector<1x16xf32>
      tpu.vector_store %arg13[%swap3A_233, %swap3A_234], %swap3A_237 {strides = array<i32>} : memref<16x128xf32, #tpu.memory_space<vmem>>, vector<1x16xf32>,
      %get3A_238 = arith.index_cast %scan3A_134 : i32 to index
      %get3A_239 = arith.constant 112 : index
      %get3A_240 = tpu.vector_load %arg11[%get3A_238, %get3A_239] {strides = array<i32>} : memref<16x128xf32, #tpu.memory_space<vmem>>, vector<1x16xf32>,
      %get3A_241 = vector.shape_cast %get3A_240 : vector<1x16xf32> to vector<16xf32>
      %get3A_242 = arith.constant 0 : i32
      %get3A_243 = arith.index_cast %get3A_242 : i32 to index
      %get3A_244 = arith.constant 112 : index
      %get3A_245 = tpu.vector_load %arg12[%get3A_243, %get3A_244] {strides = array<i32>} : memref<3x128xf32, #tpu.memory_space<vmem>>, vector<1x16xf32>,
      %get3A_246 = vector.shape_cast %get3A_245 : vector<1x16xf32> to vector<16xf32>
      %add3A_247 = arith.addf %get3A_241, %get3A_246 : vector<16xf32>
      %swap3A_248 = arith.index_cast %scan3A_134 : i32 to index
      %swap3A_249 = arith.constant 112 : index
      %swap3A_250 = tpu.vector_load %arg13[%swap3A_248, %swap3A_249] {strides = array<i32>} : memref<16x128xf32, #tpu.memory_space<vmem>>, vector<1x16xf32>,
      %swap3A_251 = vector.shape_cast %swap3A_250 : vector<1x16xf32> to vector<16xf32>
      %swap3A_252 = vector.shape_cast %add3A_247 : vector<16xf32> to vector<1x16xf32>
      tpu.vector_store %arg13[%swap3A_248, %swap3A_249], %swap3A_252 {strides = array<i32>} : memref<16x128xf32, #tpu.memory_space<vmem>>, vector<1x16xf32>,
    }
    %scan3A_23 = arith.constant 16 : i32
    %add3A_24 = arith.constant 0 : i32
    %add3A_25 = arith.addi %add3A_24, %multiple_of3A : i32
    %multiple_of3A_26 = tpu.assume_multiple %add3A_25, 8 : i32
    "tpu.region"() ({
      %run_scoped3A = tpu.sem_alloc : memref<!tpu.dma_semaphore, #tpu.memory_space<semaphore_mem>>
      %dma_start3A_134 = arith.constant 0 : i32
      %dma_start3A_135 = tpu.memref_slice %arg10[%multiple_of3A_26, %dma_start3A_134] : memref<600x128xf32, #tpu.memory_space<vmem_shared>> -> memref<16x128xf32, #tpu.memory_space<vmem_shared>>
      %dma_start3A_136 = arith.constant 0 : i32
      %dma_start3A_137 = tpu.memref_slice %arg10[%multiple_of3A_26, %dma_start3A_136] : memref<600x128xf32, #tpu.memory_space<vmem_shared>> -> memref<16x128xf32, #tpu.memory_space<vmem_shared>>
      tpu.enqueue_dma source(%arg13 : memref<16x128xf32, #tpu.memory_space<vmem>>) target(%dma_start3A_137 : memref<16x128xf32, #tpu.memory_space<vmem_shared>>) target_semaphore(%run_scoped3A : memref<!tpu.dma_semaphore, #tpu.memory_space<semaphore_mem>>)
      %dma_wait3A_138 = arith.constant 0 : i32
      %dma_wait3A_139 = tpu.memref_slice %arg10[%multiple_of3A_26, %dma_wait3A_138] : memref<600x128xf32, #tpu.memory_space<vmem_shared>> -> memref<16x128xf32, #tpu.memory_space<vmem_shared>>
      %dma_wait3A_140 = arith.constant 0 : i32
      %dma_wait3A_141 = tpu.memref_slice %arg10[%multiple_of3A_26, %dma_wait3A_140] : memref<600x128xf32, #tpu.memory_space<vmem_shared>> -> memref<16x128xf32, #tpu.memory_space<vmem_shared>>
      tpu.wait_dma2 semaphore(%run_scoped3A : memref<!tpu.dma_semaphore, #tpu.memory_space<semaphore_mem>>) src(%arg13 : memref<16x128xf32, #tpu.memory_space<vmem>>) dst(%dma_wait3A_141 : memref<16x128xf32, #tpu.memory_space<vmem_shared>>)
      tpu.yield
    }) : () -> ()
    %scan3A_27 = arith.constant 0 : i32
    %scan3A_28 = arith.constant 0 : i32
    %scan3A_29 = arith.constant 16 : i32
    %scan3A_30 = arith.addi %scan3A_28, %scan3A_29 : i32
    %scan3A_31 = arith.constant 1 : i32
    scf.for %scan3A_134 = %scan3A_28 to %scan3A_30 step %scan3A_31  : i32 {
      %get3A = arith.index_cast %scan3A_134 : i32 to index
      %get3A_135 = arith.constant 0 : index
      %get3A_136 = tpu.vector_load %arg11[%get3A, %get3A_135] {strides = array<i32>} : memref<16x128xf32, #tpu.memory_space<vmem>>, vector<1x16xf32>,
      %get3A_137 = vector.shape_cast %get3A_136 : vector<1x16xf32> to vector<16xf32>
      %get3A_138 = arith.constant 1 : i32
      %get3A_139 = arith.index_cast %get3A_138 : i32 to index
      %get3A_140 = arith.constant 0 : index
      %get3A_141 = tpu.vector_load %arg12[%get3A_139, %get3A_140] {strides = array<i32>} : memref<3x128xf32, #tpu.memory_space<vmem>>, vector<1x16xf32>,
      %get3A_142 = vector.shape_cast %get3A_141 : vector<1x16xf32> to vector<16xf32>
      %add3A_143 = arith.addf %get3A_137, %get3A_142 : vector<16xf32>
      %swap3A = arith.index_cast %scan3A_134 : i32 to index
      %swap3A_144 = arith.constant 0 : index
      %swap3A_145 = tpu.vector_load %arg13[%swap3A, %swap3A_144] {strides = array<i32>} : memref<16x128xf32, #tpu.memory_space<vmem>>, vector<1x16xf32>,
      %swap3A_146 = vector.shape_cast %swap3A_145 : vector<1x16xf32> to vector<16xf32>
      %swap3A_147 = vector.shape_cast %add3A_143 : vector<16xf32> to vector<1x16xf32>
      tpu.vector_store %arg13[%swap3A, %swap3A_144], %swap3A_147 {strides = array<i32>} : memref<16x128xf32, #tpu.memory_space<vmem>>, vector<1x16xf32>,
      %get3A_148 = arith.index_cast %scan3A_134 : i32 to index
      %get3A_149 = arith.constant 16 : index
      %get3A_150 = tpu.vector_load %arg11[%get3A_148, %get3A_149] {strides = array<i32>} : memref<16x128xf32, #tpu.memory_space<vmem>>, vector<1x16xf32>,
      %get3A_151 = vector.shape_cast %get3A_150 : vector<1x16xf32> to vector<16xf32>
      %get3A_152 = arith.constant 1 : i32
      %get3A_153 = arith.index_cast %get3A_152 : i32 to index
      %get3A_154 = arith.constant 16 : index
      %get3A_155 = tpu.vector_load %arg12[%get3A_153, %get3A_154] {strides = array<i32>} : memref<3x128xf32, #tpu.memory_space<vmem>>, vector<1x16xf32>,
      %get3A_156 = vector.shape_cast %get3A_155 : vector<1x16xf32> to vector<16xf32>
      %add3A_157 = arith.addf %get3A_151, %get3A_156 : vector<16xf32>
      %swap3A_158 = arith.index_cast %scan3A_134 : i32 to index
      %swap3A_159 = arith.constant 16 : index
      %swap3A_160 = tpu.vector_load %arg13[%swap3A_158, %swap3A_159] {strides = array<i32>} : memref<16x128xf32, #tpu.memory_space<vmem>>, vector<1x16xf32>,
      %swap3A_161 = vector.shape_cast %swap3A_160 : vector<1x16xf32> to vector<16xf32>
      %swap3A_162 = vector.shape_cast %add3A_157 : vector<16xf32> to vector<1x16xf32>
      tpu.vector_store %arg13[%swap3A_158, %swap3A_159], %swap3A_162 {strides = array<i32>} : memref<16x128xf32, #tpu.memory_space<vmem>>, vector<1x16xf32>,
      %get3A_163 = arith.index_cast %scan3A_134 : i32 to index
      %get3A_164 = arith.constant 32 : index
      %get3A_165 = tpu.vector_load %arg11[%get3A_163, %get3A_164] {strides = array<i32>} : memref<16x128xf32, #tpu.memory_space<vmem>>, vector<1x16xf32>,
      %get3A_166 = vector.shape_cast %get3A_165 : vector<1x16xf32> to vector<16xf32>
      %get3A_167 = arith.constant 1 : i32
      %get3A_168 = arith.index_cast %get3A_167 : i32 to index
      %get3A_169 = arith.constant 32 : index
      %get3A_170 = tpu.vector_load %arg12[%get3A_168, %get3A_169] {strides = array<i32>} : memref<3x128xf32, #tpu.memory_space<vmem>>, vector<1x16xf32>,
      %get3A_171 = vector.shape_cast %get3A_170 : vector<1x16xf32> to vector<16xf32>
      %add3A_172 = arith.addf %get3A_166, %get3A_171 : vector<16xf32>
      %swap3A_173 = arith.index_cast %scan3A_134 : i32 to index
      %swap3A_174 = arith.constant 32 : index
      %swap3A_175 = tpu.vector_load %arg13[%swap3A_173, %swap3A_174] {strides = array<i32>} : memref<16x128xf32, #tpu.memory_space<vmem>>, vector<1x16xf32>,
      %swap3A_176 = vector.shape_cast %swap3A_175 : vector<1x16xf32> to vector<16xf32>
      %swap3A_177 = vector.shape_cast %add3A_172 : vector<16xf32> to vector<1x16xf32>
      tpu.vector_store %arg13[%swap3A_173, %swap3A_174], %swap3A_177 {strides = array<i32>} : memref<16x128xf32, #tpu.memory_space<vmem>>, vector<1x16xf32>,
      %get3A_178 = arith.index_cast %scan3A_134 : i32 to index
      %get3A_179 = arith.constant 48 : index
      %get3A_180 = tpu.vector_load %arg11[%get3A_178, %get3A_179] {strides = array<i32>} : memref<16x128xf32, #tpu.memory_space<vmem>>, vector<1x16xf32>,
      %get3A_181 = vector.shape_cast %get3A_180 : vector<1x16xf32> to vector<16xf32>
      %get3A_182 = arith.constant 1 : i32
      %get3A_183 = arith.index_cast %get3A_182 : i32 to index
      %get3A_184 = arith.constant 48 : index
      %get3A_185 = tpu.vector_load %arg12[%get3A_183, %get3A_184] {strides = array<i32>} : memref<3x128xf32, #tpu.memory_space<vmem>>, vector<1x16xf32>,
      %get3A_186 = vector.shape_cast %get3A_185 : vector<1x16xf32> to vector<16xf32>
      %add3A_187 = arith.addf %get3A_181, %get3A_186 : vector<16xf32>
      %swap3A_188 = arith.index_cast %scan3A_134 : i32 to index
      %swap3A_189 = arith.constant 48 : index
      %swap3A_190 = tpu.vector_load %arg13[%swap3A_188, %swap3A_189] {strides = array<i32>} : memref<16x128xf32, #tpu.memory_space<vmem>>, vector<1x16xf32>,
      %swap3A_191 = vector.shape_cast %swap3A_190 : vector<1x16xf32> to vector<16xf32>
      %swap3A_192 = vector.shape_cast %add3A_187 : vector<16xf32> to vector<1x16xf32>
      tpu.vector_store %arg13[%swap3A_188, %swap3A_189], %swap3A_192 {strides = array<i32>} : memref<16x128xf32, #tpu.memory_space<vmem>>, vector<1x16xf32>,
      %get3A_193 = arith.index_cast %scan3A_134 : i32 to index
      %get3A_194 = arith.constant 64 : index
      %get3A_195 = tpu.vector_load %arg11[%get3A_193, %get3A_194] {strides = array<i32>} : memref<16x128xf32, #tpu.memory_space<vmem>>, vector<1x16xf32>,
      %get3A_196 = vector.shape_cast %get3A_195 : vector<1x16xf32> to vector<16xf32>
      %get3A_197 = arith.constant 1 : i32
      %get3A_198 = arith.index_cast %get3A_197 : i32 to index
      %get3A_199 = arith.constant 64 : index
      %get3A_200 = tpu.vector_load %arg12[%get3A_198, %get3A_199] {strides = array<i32>} : memref<3x128xf32, #tpu.memory_space<vmem>>, vector<1x16xf32>,
      %get3A_201 = vector.shape_cast %get3A_200 : vector<1x16xf32> to vector<16xf32>
      %add3A_202 = arith.addf %get3A_196, %get3A_201 : vector<16xf32>
      %swap3A_203 = arith.index_cast %scan3A_134 : i32 to index
      %swap3A_204 = arith.constant 64 : index
      %swap3A_205 = tpu.vector_load %arg13[%swap3A_203, %swap3A_204] {strides = array<i32>} : memref<16x128xf32, #tpu.memory_space<vmem>>, vector<1x16xf32>,
      %swap3A_206 = vector.shape_cast %swap3A_205 : vector<1x16xf32> to vector<16xf32>
      %swap3A_207 = vector.shape_cast %add3A_202 : vector<16xf32> to vector<1x16xf32>
      tpu.vector_store %arg13[%swap3A_203, %swap3A_204], %swap3A_207 {strides = array<i32>} : memref<16x128xf32, #tpu.memory_space<vmem>>, vector<1x16xf32>,
      %get3A_208 = arith.index_cast %scan3A_134 : i32 to index
      %get3A_209 = arith.constant 80 : index
      %get3A_210 = tpu.vector_load %arg11[%get3A_208, %get3A_209] {strides = array<i32>} : memref<16x128xf32, #tpu.memory_space<vmem>>, vector<1x16xf32>,
      %get3A_211 = vector.shape_cast %get3A_210 : vector<1x16xf32> to vector<16xf32>
      %get3A_212 = arith.constant 1 : i32
      %get3A_213 = arith.index_cast %get3A_212 : i32 to index
      %get3A_214 = arith.constant 80 : index
      %get3A_215 = tpu.vector_load %arg12[%get3A_213, %get3A_214] {strides = array<i32>} : memref<3x128xf32, #tpu.memory_space<vmem>>, vector<1x16xf32>,
      %get3A_216 = vector.shape_cast %get3A_215 : vector<1x16xf32> to vector<16xf32>
      %add3A_217 = arith.addf %get3A_211, %get3A_216 : vector<16xf32>
      %swap3A_218 = arith.index_cast %scan3A_134 : i32 to index
      %swap3A_219 = arith.constant 80 : index
      %swap3A_220 = tpu.vector_load %arg13[%swap3A_218, %swap3A_219] {strides = array<i32>} : memref<16x128xf32, #tpu.memory_space<vmem>>, vector<1x16xf32>,
      %swap3A_221 = vector.shape_cast %swap3A_220 : vector<1x16xf32> to vector<16xf32>
      %swap3A_222 = vector.shape_cast %add3A_217 : vector<16xf32> to vector<1x16xf32>
      tpu.vector_store %arg13[%swap3A_218, %swap3A_219], %swap3A_222 {strides = array<i32>} : memref<16x128xf32, #tpu.memory_space<vmem>>, vector<1x16xf32>,
      %get3A_223 = arith.index_cast %scan3A_134 : i32 to index
      %get3A_224 = arith.constant 96 : index
      %get3A_225 = tpu.vector_load %arg11[%get3A_223, %get3A_224] {strides = array<i32>} : memref<16x128xf32, #tpu.memory_space<vmem>>, vector<1x16xf32>,
      %get3A_226 = vector.shape_cast %get3A_225 : vector<1x16xf32> to vector<16xf32>
      %get3A_227 = arith.constant 1 : i32
      %get3A_228 = arith.index_cast %get3A_227 : i32 to index
      %get3A_229 = arith.constant 96 : index
      %get3A_230 = tpu.vector_load %arg12[%get3A_228, %get3A_229] {strides = array<i32>} : memref<3x128xf32, #tpu.memory_space<vmem>>, vector<1x16xf32>,
      %get3A_231 = vector.shape_cast %get3A_230 : vector<1x16xf32> to vector<16xf32>
      %add3A_232 = arith.addf %get3A_226, %get3A_231 : vector<16xf32>
      %swap3A_233 = arith.index_cast %scan3A_134 : i32 to index
      %swap3A_234 = arith.constant 96 : index
      %swap3A_235 = tpu.vector_load %arg13[%swap3A_233, %swap3A_234] {strides = array<i32>} : memref<16x128xf32, #tpu.memory_space<vmem>>, vector<1x16xf32>,
      %swap3A_236 = vector.shape_cast %swap3A_235 : vector<1x16xf32> to vector<16xf32>
      %swap3A_237 = vector.shape_cast %add3A_232 : vector<16xf32> to vector<1x16xf32>
      tpu.vector_store %arg13[%swap3A_233, %swap3A_234], %swap3A_237 {strides = array<i32>} : memref<16x128xf32, #tpu.memory_space<vmem>>, vector<1x16xf32>,
      %get3A_238 = arith.index_cast %scan3A_134 : i32 to index
      %get3A_239 = arith.constant 112 : index
      %get3A_240 = tpu.vector_load %arg11[%get3A_238, %get3A_239] {strides = array<i32>} : memref<16x128xf32, #tpu.memory_space<vmem>>, vector<1x16xf32>,
      %get3A_241 = vector.shape_cast %get3A_240 : vector<1x16xf32> to vector<16xf32>
      %get3A_242 = arith.constant 1 : i32
      %get3A_243 = arith.index_cast %get3A_242 : i32 to index
      %get3A_244 = arith.constant 112 : index
      %get3A_245 = tpu.vector_load %arg12[%get3A_243, %get3A_244] {strides = array<i32>} : memref<3x128xf32, #tpu.memory_space<vmem>>, vector<1x16xf32>,
      %get3A_246 = vector.shape_cast %get3A_245 : vector<1x16xf32> to vector<16xf32>
      %add3A_247 = arith.addf %get3A_241, %get3A_246 : vector<16xf32>
      %swap3A_248 = arith.index_cast %scan3A_134 : i32 to index
      %swap3A_249 = arith.constant 112 : index
      %swap3A_250 = tpu.vector_load %arg13[%swap3A_248, %swap3A_249] {strides = array<i32>} : memref<16x128xf32, #tpu.memory_space<vmem>>, vector<1x16xf32>,
      %swap3A_251 = vector.shape_cast %swap3A_250 : vector<1x16xf32> to vector<16xf32>
      %swap3A_252 = vector.shape_cast %add3A_247 : vector<16xf32> to vector<1x16xf32>
      tpu.vector_store %arg13[%swap3A_248, %swap3A_249], %swap3A_252 {strides = array<i32>} : memref<16x128xf32, #tpu.memory_space<vmem>>, vector<1x16xf32>,
    }
    %scan3A_32 = arith.constant 16 : i32
    %add3A_33 = arith.constant 200 : i32
    %add3A_34 = arith.addi %add3A_33, %multiple_of3A : i32
    %multiple_of3A_35 = tpu.assume_multiple %add3A_34, 8 : i32
    "tpu.region"() ({
      %run_scoped3A = tpu.sem_alloc : memref<!tpu.dma_semaphore, #tpu.memory_space<semaphore_mem>>
      %dma_start3A_134 = arith.constant 0 : i32
      %dma_start3A_135 = tpu.memref_slice %arg10[%multiple_of3A_35, %dma_start3A_134] : memref<600x128xf32, #tpu.memory_space<vmem_shared>> -> memref<16x128xf32, #tpu.memory_space<vmem_shared>>
      %dma_start3A_136 = arith.constant 0 : i32
      %dma_start3A_137 = tpu.memref_slice %arg10[%multiple_of3A_35, %dma_start3A_136] : memref<600x128xf32, #tpu.memory_space<vmem_shared>> -> memref<16x128xf32, #tpu.memory_space<vmem_shared>>
      tpu.enqueue_dma source(%arg13 : memref<16x128xf32, #tpu.memory_space<vmem>>) target(%dma_start3A_137 : memref<16x128xf32, #tpu.memory_space<vmem_shared>>) target_semaphore(%run_scoped3A : memref<!tpu.dma_semaphore, #tpu.memory_space<semaphore_mem>>)
      %dma_wait3A_138 = arith.constant 0 : i32
      %dma_wait3A_139 = tpu.memref_slice %arg10[%multiple_of3A_35, %dma_wait3A_138] : memref<600x128xf32, #tpu.memory_space<vmem_shared>> -> memref<16x128xf32, #tpu.memory_space<vmem_shared>>
      %dma_wait3A_140 = arith.constant 0 : i32
      %dma_wait3A_141 = tpu.memref_slice %arg10[%multiple_of3A_35, %dma_wait3A_140] : memref<600x128xf32, #tpu.memory_space<vmem_shared>> -> memref<16x128xf32, #tpu.memory_space<vmem_shared>>
      tpu.wait_dma2 semaphore(%run_scoped3A : memref<!tpu.dma_semaphore, #tpu.memory_space<semaphore_mem>>) src(%arg13 : memref<16x128xf32, #tpu.memory_space<vmem>>) dst(%dma_wait3A_141 : memref<16x128xf32, #tpu.memory_space<vmem_shared>>)
      tpu.yield
    }) : () -> ()
    %scan3A_36 = arith.constant 0 : i32
    %scan3A_37 = arith.constant 0 : i32
    %scan3A_38 = arith.constant 16 : i32
    %scan3A_39 = arith.addi %scan3A_37, %scan3A_38 : i32
    %scan3A_40 = arith.constant 1 : i32
    scf.for %scan3A_134 = %scan3A_37 to %scan3A_39 step %scan3A_40  : i32 {
      %get3A = arith.index_cast %scan3A_134 : i32 to index
      %get3A_135 = arith.constant 0 : index
      %get3A_136 = tpu.vector_load %arg11[%get3A, %get3A_135] {strides = array<i32>} : memref<16x128xf32, #tpu.memory_space<vmem>>, vector<1x16xf32>,
      %get3A_137 = vector.shape_cast %get3A_136 : vector<1x16xf32> to vector<16xf32>
      %get3A_138 = arith.constant 2 : i32
      %get3A_139 = arith.index_cast %get3A_138 : i32 to index
      %get3A_140 = arith.constant 0 : index
      %get3A_141 = tpu.vector_load %arg12[%get3A_139, %get3A_140] {strides = array<i32>} : memref<3x128xf32, #tpu.memory_space<vmem>>, vector<1x16xf32>,
      %get3A_142 = vector.shape_cast %get3A_141 : vector<1x16xf32> to vector<16xf32>
      %add3A_143 = arith.addf %get3A_137, %get3A_142 : vector<16xf32>
      %swap3A = arith.index_cast %scan3A_134 : i32 to index
      %swap3A_144 = arith.constant 0 : index
      %swap3A_145 = tpu.vector_load %arg13[%swap3A, %swap3A_144] {strides = array<i32>} : memref<16x128xf32, #tpu.memory_space<vmem>>, vector<1x16xf32>,
      %swap3A_146 = vector.shape_cast %swap3A_145 : vector<1x16xf32> to vector<16xf32>
      %swap3A_147 = vector.shape_cast %add3A_143 : vector<16xf32> to vector<1x16xf32>
      tpu.vector_store %arg13[%swap3A, %swap3A_144], %swap3A_147 {strides = array<i32>} : memref<16x128xf32, #tpu.memory_space<vmem>>, vector<1x16xf32>,
      %get3A_148 = arith.index_cast %scan3A_134 : i32 to index
      %get3A_149 = arith.constant 16 : index
      %get3A_150 = tpu.vector_load %arg11[%get3A_148, %get3A_149] {strides = array<i32>} : memref<16x128xf32, #tpu.memory_space<vmem>>, vector<1x16xf32>,
      %get3A_151 = vector.shape_cast %get3A_150 : vector<1x16xf32> to vector<16xf32>
      %get3A_152 = arith.constant 2 : i32
      %get3A_153 = arith.index_cast %get3A_152 : i32 to index
      %get3A_154 = arith.constant 16 : index
      %get3A_155 = tpu.vector_load %arg12[%get3A_153, %get3A_154] {strides = array<i32>} : memref<3x128xf32, #tpu.memory_space<vmem>>, vector<1x16xf32>,
      %get3A_156 = vector.shape_cast %get3A_155 : vector<1x16xf32> to vector<16xf32>
      %add3A_157 = arith.addf %get3A_151, %get3A_156 : vector<16xf32>
      %swap3A_158 = arith.index_cast %scan3A_134 : i32 to index
      %swap3A_159 = arith.constant 16 : index
      %swap3A_160 = tpu.vector_load %arg13[%swap3A_158, %swap3A_159] {strides = array<i32>} : memref<16x128xf32, #tpu.memory_space<vmem>>, vector<1x16xf32>,
      %swap3A_161 = vector.shape_cast %swap3A_160 : vector<1x16xf32> to vector<16xf32>
      %swap3A_162 = vector.shape_cast %add3A_157 : vector<16xf32> to vector<1x16xf32>
      tpu.vector_store %arg13[%swap3A_158, %swap3A_159], %swap3A_162 {strides = array<i32>} : memref<16x128xf32, #tpu.memory_space<vmem>>, vector<1x16xf32>,
      %get3A_163 = arith.index_cast %scan3A_134 : i32 to index
      %get3A_164 = arith.constant 32 : index
      %get3A_165 = tpu.vector_load %arg11[%get3A_163, %get3A_164] {strides = array<i32>} : memref<16x128xf32, #tpu.memory_space<vmem>>, vector<1x16xf32>,
      %get3A_166 = vector.shape_cast %get3A_165 : vector<1x16xf32> to vector<16xf32>
      %get3A_167 = arith.constant 2 : i32
      %get3A_168 = arith.index_cast %get3A_167 : i32 to index
      %get3A_169 = arith.constant 32 : index
      %get3A_170 = tpu.vector_load %arg12[%get3A_168, %get3A_169] {strides = array<i32>} : memref<3x128xf32, #tpu.memory_space<vmem>>, vector<1x16xf32>,
      %get3A_171 = vector.shape_cast %get3A_170 : vector<1x16xf32> to vector<16xf32>
      %add3A_172 = arith.addf %get3A_166, %get3A_171 : vector<16xf32>
      %swap3A_173 = arith.index_cast %scan3A_134 : i32 to index
      %swap3A_174 = arith.constant 32 : index
      %swap3A_175 = tpu.vector_load %arg13[%swap3A_173, %swap3A_174] {strides = array<i32>} : memref<16x128xf32, #tpu.memory_space<vmem>>, vector<1x16xf32>,
      %swap3A_176 = vector.shape_cast %swap3A_175 : vector<1x16xf32> to vector<16xf32>
      %swap3A_177 = vector.shape_cast %add3A_172 : vector<16xf32> to vector<1x16xf32>
      tpu.vector_store %arg13[%swap3A_173, %swap3A_174], %swap3A_177 {strides = array<i32>} : memref<16x128xf32, #tpu.memory_space<vmem>>, vector<1x16xf32>,
      %get3A_178 = arith.index_cast %scan3A_134 : i32 to index
      %get3A_179 = arith.constant 48 : index
      %get3A_180 = tpu.vector_load %arg11[%get3A_178, %get3A_179] {strides = array<i32>} : memref<16x128xf32, #tpu.memory_space<vmem>>, vector<1x16xf32>,
      %get3A_181 = vector.shape_cast %get3A_180 : vector<1x16xf32> to vector<16xf32>
      %get3A_182 = arith.constant 2 : i32
      %get3A_183 = arith.index_cast %get3A_182 : i32 to index
      %get3A_184 = arith.constant 48 : index
      %get3A_185 = tpu.vector_load %arg12[%get3A_183, %get3A_184] {strides = array<i32>} : memref<3x128xf32, #tpu.memory_space<vmem>>, vector<1x16xf32>,
      %get3A_186 = vector.shape_cast %get3A_185 : vector<1x16xf32> to vector<16xf32>
      %add3A_187 = arith.addf %get3A_181, %get3A_186 : vector<16xf32>
      %swap3A_188 = arith.index_cast %scan3A_134 : i32 to index
      %swap3A_189 = arith.constant 48 : index
      %swap3A_190 = tpu.vector_load %arg13[%swap3A_188, %swap3A_189] {strides = array<i32>} : memref<16x128xf32, #tpu.memory_space<vmem>>, vector<1x16xf32>,
      %swap3A_191 = vector.shape_cast %swap3A_190 : vector<1x16xf32> to vector<16xf32>
      %swap3A_192 = vector.shape_cast %add3A_187 : vector<16xf32> to vector<1x16xf32>
      tpu.vector_store %arg13[%swap3A_188, %swap3A_189], %swap3A_192 {strides = array<i32>} : memref<16x128xf32, #tpu.memory_space<vmem>>, vector<1x16xf32>,
      %get3A_193 = arith.index_cast %scan3A_134 : i32 to index
      %get3A_194 = arith.constant 64 : index
      %get3A_195 = tpu.vector_load %arg11[%get3A_193, %get3A_194] {strides = array<i32>} : memref<16x128xf32, #tpu.memory_space<vmem>>, vector<1x16xf32>,
      %get3A_196 = vector.shape_cast %get3A_195 : vector<1x16xf32> to vector<16xf32>
      %get3A_197 = arith.constant 2 : i32
      %get3A_198 = arith.index_cast %get3A_197 : i32 to index
      %get3A_199 = arith.constant 64 : index
      %get3A_200 = tpu.vector_load %arg12[%get3A_198, %get3A_199] {strides = array<i32>} : memref<3x128xf32, #tpu.memory_space<vmem>>, vector<1x16xf32>,
      %get3A_201 = vector.shape_cast %get3A_200 : vector<1x16xf32> to vector<16xf32>
      %add3A_202 = arith.addf %get3A_196, %get3A_201 : vector<16xf32>
      %swap3A_203 = arith.index_cast %scan3A_134 : i32 to index
      %swap3A_204 = arith.constant 64 : index
      %swap3A_205 = tpu.vector_load %arg13[%swap3A_203, %swap3A_204] {strides = array<i32>} : memref<16x128xf32, #tpu.memory_space<vmem>>, vector<1x16xf32>,
      %swap3A_206 = vector.shape_cast %swap3A_205 : vector<1x16xf32> to vector<16xf32>
      %swap3A_207 = vector.shape_cast %add3A_202 : vector<16xf32> to vector<1x16xf32>
      tpu.vector_store %arg13[%swap3A_203, %swap3A_204], %swap3A_207 {strides = array<i32>} : memref<16x128xf32, #tpu.memory_space<vmem>>, vector<1x16xf32>,
      %get3A_208 = arith.index_cast %scan3A_134 : i32 to index
      %get3A_209 = arith.constant 80 : index
      %get3A_210 = tpu.vector_load %arg11[%get3A_208, %get3A_209] {strides = array<i32>} : memref<16x128xf32, #tpu.memory_space<vmem>>, vector<1x16xf32>,
      %get3A_211 = vector.shape_cast %get3A_210 : vector<1x16xf32> to vector<16xf32>
      %get3A_212 = arith.constant 2 : i32
      %get3A_213 = arith.index_cast %get3A_212 : i32 to index
      %get3A_214 = arith.constant 80 : index
      %get3A_215 = tpu.vector_load %arg12[%get3A_213, %get3A_214] {strides = array<i32>} : memref<3x128xf32, #tpu.memory_space<vmem>>, vector<1x16xf32>,
      %get3A_216 = vector.shape_cast %get3A_215 : vector<1x16xf32> to vector<16xf32>
      %add3A_217 = arith.addf %get3A_211, %get3A_216 : vector<16xf32>
      %swap3A_218 = arith.index_cast %scan3A_134 : i32 to index
      %swap3A_219 = arith.constant 80 : index
      %swap3A_220 = tpu.vector_load %arg13[%swap3A_218, %swap3A_219] {strides = array<i32>} : memref<16x128xf32, #tpu.memory_space<vmem>>, vector<1x16xf32>,
      %swap3A_221 = vector.shape_cast %swap3A_220 : vector<1x16xf32> to vector<16xf32>
      %swap3A_222 = vector.shape_cast %add3A_217 : vector<16xf32> to vector<1x16xf32>
      tpu.vector_store %arg13[%swap3A_218, %swap3A_219], %swap3A_222 {strides = array<i32>} : memref<16x128xf32, #tpu.memory_space<vmem>>, vector<1x16xf32>,
      %get3A_223 = arith.index_cast %scan3A_134 : i32 to index
      %get3A_224 = arith.constant 96 : index
      %get3A_225 = tpu.vector_load %arg11[%get3A_223, %get3A_224] {strides = array<i32>} : memref<16x128xf32, #tpu.memory_space<vmem>>, vector<1x16xf32>,
      %get3A_226 = vector.shape_cast %get3A_225 : vector<1x16xf32> to vector<16xf32>
      %get3A_227 = arith.constant 2 : i32
      %get3A_228 = arith.index_cast %get3A_227 : i32 to index
      %get3A_229 = arith.constant 96 : index
      %get3A_230 = tpu.vector_load %arg12[%get3A_228, %get3A_229] {strides = array<i32>} : memref<3x128xf32, #tpu.memory_space<vmem>>, vector<1x16xf32>,
      %get3A_231 = vector.shape_cast %get3A_230 : vector<1x16xf32> to vector<16xf32>
      %add3A_232 = arith.addf %get3A_226, %get3A_231 : vector<16xf32>
      %swap3A_233 = arith.index_cast %scan3A_134 : i32 to index
      %swap3A_234 = arith.constant 96 : index
      %swap3A_235 = tpu.vector_load %arg13[%swap3A_233, %swap3A_234] {strides = array<i32>} : memref<16x128xf32, #tpu.memory_space<vmem>>, vector<1x16xf32>,
      %swap3A_236 = vector.shape_cast %swap3A_235 : vector<1x16xf32> to vector<16xf32>
      %swap3A_237 = vector.shape_cast %add3A_232 : vector<16xf32> to vector<1x16xf32>
      tpu.vector_store %arg13[%swap3A_233, %swap3A_234], %swap3A_237 {strides = array<i32>} : memref<16x128xf32, #tpu.memory_space<vmem>>, vector<1x16xf32>,
      %get3A_238 = arith.index_cast %scan3A_134 : i32 to index
      %get3A_239 = arith.constant 112 : index
      %get3A_240 = tpu.vector_load %arg11[%get3A_238, %get3A_239] {strides = array<i32>} : memref<16x128xf32, #tpu.memory_space<vmem>>, vector<1x16xf32>,
      %get3A_241 = vector.shape_cast %get3A_240 : vector<1x16xf32> to vector<16xf32>
      %get3A_242 = arith.constant 2 : i32
      %get3A_243 = arith.index_cast %get3A_242 : i32 to index
      %get3A_244 = arith.constant 112 : index
      %get3A_245 = tpu.vector_load %arg12[%get3A_243, %get3A_244] {strides = array<i32>} : memref<3x128xf32, #tpu.memory_space<vmem>>, vector<1x16xf32>,
      %get3A_246 = vector.shape_cast %get3A_245 : vector<1x16xf32> to vector<16xf32>
      %add3A_247 = arith.addf %get3A_241, %get3A_246 : vector<16xf32>
      %swap3A_248 = arith.index_cast %scan3A_134 : i32 to index
      %swap3A_249 = arith.constant 112 : index
      %swap3A_250 = tpu.vector_load %arg13[%swap3A_248, %swap3A_249] {strides = array<i32>} : memref<16x128xf32, #tpu.memory_space<vmem>>, vector<1x16xf32>,
      %swap3A_251 = vector.shape_cast %swap3A_250 : vector<1x16xf32> to vector<16xf32>
      %swap3A_252 = vector.shape_cast %add3A_247 : vector<16xf32> to vector<1x16xf32>
      tpu.vector_store %arg13[%swap3A_248, %swap3A_249], %swap3A_252 {strides = array<i32>} : memref<16x128xf32, #tpu.memory_space<vmem>>, vector<1x16xf32>,
    }
    %scan3A_41 = arith.constant 16 : i32
    %add3A_42 = arith.constant 400 : i32
    %add3A_43 = arith.addi %add3A_42, %multiple_of3A : i32
    %multiple_of3A_44 = tpu.assume_multiple %add3A_43, 8 : i32
    "tpu.region"() ({
      %run_scoped3A = tpu.sem_alloc : memref<!tpu.dma_semaphore, #tpu.memory_space<semaphore_mem>>
      %dma_start3A_134 = arith.constant 0 : i32
      %dma_start3A_135 = tpu.memref_slice %arg10[%multiple_of3A_44, %dma_start3A_134] : memref<600x128xf32, #tpu.memory_space<vmem_shared>> -> memref<16x128xf32, #tpu.memory_space<vmem_shared>>
      %dma_start3A_136 = arith.constant 0 : i32
      %dma_start3A_137 = tpu.memref_slice %arg10[%multiple_of3A_44, %dma_start3A_136] : memref<600x128xf32, #tpu.memory_space<vmem_shared>> -> memref<16x128xf32, #tpu.memory_space<vmem_shared>>
      tpu.enqueue_dma source(%arg13 : memref<16x128xf32, #tpu.memory_space<vmem>>) target(%dma_start3A_137 : memref<16x128xf32, #tpu.memory_space<vmem_shared>>) target_semaphore(%run_scoped3A : memref<!tpu.dma_semaphore, #tpu.memory_space<semaphore_mem>>)
      %dma_wait3A_138 = arith.constant 0 : i32
      %dma_wait3A_139 = tpu.memref_slice %arg10[%multiple_of3A_44, %dma_wait3A_138] : memref<600x128xf32, #tpu.memory_space<vmem_shared>> -> memref<16x128xf32, #tpu.memory_space<vmem_shared>>
      %dma_wait3A_140 = arith.constant 0 : i32
      %dma_wait3A_141 = tpu.memref_slice %arg10[%multiple_of3A_44, %dma_wait3A_140] : memref<600x128xf32, #tpu.memory_space<vmem_shared>> -> memref<16x128xf32, #tpu.memory_space<vmem_shared>>
      tpu.wait_dma2 semaphore(%run_scoped3A : memref<!tpu.dma_semaphore, #tpu.memory_space<semaphore_mem>>) src(%arg13 : memref<16x128xf32, #tpu.memory_space<vmem>>) dst(%dma_wait3A_141 : memref<16x128xf32, #tpu.memory_space<vmem_shared>>)
      tpu.yield
    }) : () -> ()
    "tpu.region"() ({
      %run_scoped3A = tpu.sem_alloc : memref<!tpu.dma_semaphore, #tpu.memory_space<semaphore_mem>>
      %dma_start3A_134 = arith.constant 0 : i32
      %dma_start3A_135 = arith.constant 0 : i32
      %dma_start3A_136 = tpu.memref_slice %arg3[%add3A, %dma_start3A_134, %dma_start3A_135] : memref<32x50x128xi32, #tpu.memory_space<hbm>> -> memref<1x50x128xi32, #tpu.memory_space<hbm>>
      %dma_start3A_137 = tpu.memref_squeeze %dma_start3A_136 : memref<1x50x128xi32, #tpu.memory_space<hbm>> -> memref<50x128xi32, #tpu.memory_space<hbm>>
      %dma_start3A_138 = arith.constant 0 : i32
      %dma_start3A_139 = arith.constant 0 : i32
      %dma_start3A_140 = tpu.memref_slice %arg3[%add3A, %dma_start3A_138, %dma_start3A_139] : memref<32x50x128xi32, #tpu.memory_space<hbm>> -> memref<1x50x128xi32, #tpu.memory_space<hbm>>
      %dma_start3A_141 = tpu.memref_squeeze %dma_start3A_140 : memref<1x50x128xi32, #tpu.memory_space<hbm>> -> memref<50x128xi32, #tpu.memory_space<hbm>>
      tpu.enqueue_dma source(%dma_start3A_141 : memref<50x128xi32, #tpu.memory_space<hbm>>) target(%arg9 : memref<50x128xi32, #tpu.memory_space<vmem>>) target_semaphore(%run_scoped3A : memref<!tpu.dma_semaphore, #tpu.memory_space<semaphore_mem>>)
      %dma_wait3A_142 = arith.constant 0 : i32
      %dma_wait3A_143 = arith.constant 0 : i32
      %dma_wait3A_144 = tpu.memref_slice %arg3[%add3A, %dma_wait3A_142, %dma_wait3A_143] : memref<32x50x128xi32, #tpu.memory_space<hbm>> -> memref<1x50x128xi32, #tpu.memory_space<hbm>>
      %dma_wait3A_145 = tpu.memref_squeeze %dma_wait3A_144 : memref<1x50x128xi32, #tpu.memory_space<hbm>> -> memref<50x128xi32, #tpu.memory_space<hbm>>
      %dma_wait3A_146 = arith.constant 0 : i32
      %dma_wait3A_147 = arith.constant 0 : i32
      %dma_wait3A_148 = tpu.memref_slice %arg3[%add3A, %dma_wait3A_146, %dma_wait3A_147] : memref<32x50x128xi32, #tpu.memory_space<hbm>> -> memref<1x50x128xi32, #tpu.memory_space<hbm>>
      %dma_wait3A_149 = tpu.memref_squeeze %dma_wait3A_148 : memref<1x50x128xi32, #tpu.memory_space<hbm>> -> memref<50x128xi32, #tpu.memory_space<hbm>>
      tpu.wait_dma2 semaphore(%run_scoped3A : memref<!tpu.dma_semaphore, #tpu.memory_space<semaphore_mem>>) src(%dma_wait3A_149 : memref<50x128xi32, #tpu.memory_space<hbm>>) dst(%arg9 : memref<50x128xi32, #tpu.memory_space<vmem>>)
      tpu.yield
    }) : () -> ()
    %scan3A_45 = arith.constant 0 : i32
    %scan3A_46 = arith.constant 0 : i32
    %scan3A_47 = arith.constant 50 : i32
    %scan3A_48 = arith.addi %scan3A_46, %scan3A_47 : i32
    %scan3A_49 = arith.constant 1 : i32
    scf.for %scan3A_134 = %scan3A_46 to %scan3A_48 step %scan3A_49  : i32 {
      %mul3A_135 = arith.constant 128 : i32
      %mul3A_136 = arith.muli %scan3A_134, %mul3A_135 : i32
      %add3A_137 = arith.addi %mul3A_2, %mul3A_136 : i32
      %add3A_138 = arith.constant 0 : i32
      %add3A_139 = arith.addi %add3A_137, %add3A_138 : i32
      %iota3A = tpu.iota {dimensions = array<i32: 0>} : vector<16xi32>
      %add3A_140 = vector.broadcast %add3A_139 : i32 to vector<16xi32>
      %add3A_141 = arith.addi %add3A_140, %iota3A : vector<16xi32>
      %get3A = arith.index_cast %scan3A_134 : i32 to index
      %get3A_142 = arith.constant 0 : index
      %get3A_143 = tpu.vector_load %arg9[%get3A, %get3A_142] {strides = array<i32>} : memref<50x128xi32, #tpu.memory_space<vmem>>, vector<1x16xi32>,
      %get3A_144 = vector.shape_cast %get3A_143 : vector<1x16xi32> to vector<16xi32>
      %mul3A_145 = arith.constant 200 : i32
      %mul3A_146 = vector.broadcast %mul3A_145 : i32 to vector<16xi32>
      %mul3A_147 = arith.muli %get3A_144, %mul3A_146 : vector<16xi32>
      %jit3A = arith.constant 200 : i32
      %eq3A = arith.constant 0 : i32
      %eq3A_148 = arith.cmpi eq, %jit3A, %eq3A : i32
      %jit3A_149 = arith.constant 1 : i32
      %select_n3A = arith.select %eq3A_148, %jit3A_149, %jit3A : i32
      %rem3A = vector.broadcast %select_n3A : i32 to vector<16xi32>
      %rem3A_150 = arith.remsi %add3A_141, %rem3A : vector<16xi32>
      %ne3A = arith.constant 0 : i32
      %ne3A_151 = vector.broadcast %ne3A : i32 to vector<16xi32>
      %ne3A_152 = arith.cmpi ne, %rem3A_150, %ne3A_151 : vector<16xi32>
      %lt3A = arith.constant 0 : i32
      %lt3A_153 = vector.broadcast %lt3A : i32 to vector<16xi32>
      %lt3A_154 = arith.cmpi slt, %rem3A_150, %lt3A_153 : vector<16xi32>
      %lt3A_155 = arith.constant 0 : i32
      %lt3A_156 = arith.cmpi slt, %select_n3A, %lt3A_155 : i32
      %ne3A_157 = vector.broadcast %lt3A_156 : i1 to vector<16xi1>
      %ne3A_158 = vector.broadcast %ne3A_157 : vector<16xi1> to vector<16xi1>
      %ne3A_159 = arith.xori %lt3A_154, %ne3A_158 : vector<16xi1>
      %and3A = arith.andi %ne3A_159, %ne3A_152 : vector<16xi1>
      %add3A_160 = vector.broadcast %select_n3A : i32 to vector<16xi32>
      %add3A_161 = arith.addi %rem3A_150, %add3A_160 : vector<16xi32>
      %select_n3A_162 = arith.select %and3A, %add3A_161, %rem3A_150 : vector<16xi1>, vector<16xi32>
      %add3A_163 = arith.addi %mul3A_147, %select_n3A_162 : vector<16xi32>
      %swap3A = arith.index_cast %scan3A_134 : i32 to index
      %swap3A_164 = arith.constant 0 : index
      %swap3A_165 = tpu.vector_load %arg9[%swap3A, %swap3A_164] {strides = array<i32>} : memref<50x128xi32, #tpu.memory_space<vmem>>, vector<1x16xi32>,
      %swap3A_166 = vector.shape_cast %swap3A_165 : vector<1x16xi32> to vector<16xi32>
      %swap3A_167 = vector.shape_cast %add3A_163 : vector<16xi32> to vector<1x16xi32>
      tpu.vector_store %arg9[%swap3A, %swap3A_164], %swap3A_167 {strides = array<i32>} : memref<50x128xi32, #tpu.memory_space<vmem>>, vector<1x16xi32>,
      %mul3A_168 = arith.constant 128 : i32
      %mul3A_169 = arith.muli %scan3A_134, %mul3A_168 : i32
      %add3A_170 = arith.addi %mul3A_2, %mul3A_169 : i32
      %add3A_171 = arith.constant 16 : i32
      %add3A_172 = arith.addi %add3A_170, %add3A_171 : i32
      %iota3A_173 = tpu.iota {dimensions = array<i32: 0>} : vector<16xi32>
      %add3A_174 = vector.broadcast %add3A_172 : i32 to vector<16xi32>
      %add3A_175 = arith.addi %add3A_174, %iota3A_173 : vector<16xi32>
      %get3A_176 = arith.index_cast %scan3A_134 : i32 to index
      %get3A_177 = arith.constant 16 : index
      %get3A_178 = tpu.vector_load %arg9[%get3A_176, %get3A_177] {strides = array<i32>} : memref<50x128xi32, #tpu.memory_space<vmem>>, vector<1x16xi32>,
      %get3A_179 = vector.shape_cast %get3A_178 : vector<1x16xi32> to vector<16xi32>
      %mul3A_180 = arith.constant 200 : i32
      %mul3A_181 = vector.broadcast %mul3A_180 : i32 to vector<16xi32>
      %mul3A_182 = arith.muli %get3A_179, %mul3A_181 : vector<16xi32>
      %jit3A_183 = arith.constant 200 : i32
      %eq3A_184 = arith.constant 0 : i32
      %eq3A_185 = arith.cmpi eq, %jit3A_183, %eq3A_184 : i32
      %jit3A_186 = arith.constant 1 : i32
      %select_n3A_187 = arith.select %eq3A_185, %jit3A_186, %jit3A_183 : i32
      %rem3A_188 = vector.broadcast %select_n3A_187 : i32 to vector<16xi32>
      %rem3A_189 = arith.remsi %add3A_175, %rem3A_188 : vector<16xi32>
      %ne3A_190 = arith.constant 0 : i32
      %ne3A_191 = vector.broadcast %ne3A_190 : i32 to vector<16xi32>
      %ne3A_192 = arith.cmpi ne, %rem3A_189, %ne3A_191 : vector<16xi32>
      %lt3A_193 = arith.constant 0 : i32
      %lt3A_194 = vector.broadcast %lt3A_193 : i32 to vector<16xi32>
      %lt3A_195 = arith.cmpi slt, %rem3A_189, %lt3A_194 : vector<16xi32>
      %lt3A_196 = arith.constant 0 : i32
      %lt3A_197 = arith.cmpi slt, %select_n3A_187, %lt3A_196 : i32
      %ne3A_198 = vector.broadcast %lt3A_197 : i1 to vector<16xi1>
      %ne3A_199 = vector.broadcast %ne3A_198 : vector<16xi1> to vector<16xi1>
      %ne3A_200 = arith.xori %lt3A_195, %ne3A_199 : vector<16xi1>
      %and3A_201 = arith.andi %ne3A_200, %ne3A_192 : vector<16xi1>
      %add3A_202 = vector.broadcast %select_n3A_187 : i32 to vector<16xi32>
      %add3A_203 = arith.addi %rem3A_189, %add3A_202 : vector<16xi32>
      %select_n3A_204 = arith.select %and3A_201, %add3A_203, %rem3A_189 : vector<16xi1>, vector<16xi32>
      %add3A_205 = arith.addi %mul3A_182, %select_n3A_204 : vector<16xi32>
      %swap3A_206 = arith.index_cast %scan3A_134 : i32 to index
      %swap3A_207 = arith.constant 16 : index
      %swap3A_208 = tpu.vector_load %arg9[%swap3A_206, %swap3A_207] {strides = array<i32>} : memref<50x128xi32, #tpu.memory_space<vmem>>, vector<1x16xi32>,
      %swap3A_209 = vector.shape_cast %swap3A_208 : vector<1x16xi32> to vector<16xi32>
      %swap3A_210 = vector.shape_cast %add3A_205 : vector<16xi32> to vector<1x16xi32>
      tpu.vector_store %arg9[%swap3A_206, %swap3A_207], %swap3A_210 {strides = array<i32>} : memref<50x128xi32, #tpu.memory_space<vmem>>, vector<1x16xi32>,
      %mul3A_211 = arith.constant 128 : i32
      %mul3A_212 = arith.muli %scan3A_134, %mul3A_211 : i32
      %add3A_213 = arith.addi %mul3A_2, %mul3A_212 : i32
      %add3A_214 = arith.constant 32 : i32
      %add3A_215 = arith.addi %add3A_213, %add3A_214 : i32
      %iota3A_216 = tpu.iota {dimensions = array<i32: 0>} : vector<16xi32>
      %add3A_217 = vector.broadcast %add3A_215 : i32 to vector<16xi32>
      %add3A_218 = arith.addi %add3A_217, %iota3A_216 : vector<16xi32>
      %get3A_219 = arith.index_cast %scan3A_134 : i32 to index
      %get3A_220 = arith.constant 32 : index
      %get3A_221 = tpu.vector_load %arg9[%get3A_219, %get3A_220] {strides = array<i32>} : memref<50x128xi32, #tpu.memory_space<vmem>>, vector<1x16xi32>,
      %get3A_222 = vector.shape_cast %get3A_221 : vector<1x16xi32> to vector<16xi32>
      %mul3A_223 = arith.constant 200 : i32
      %mul3A_224 = vector.broadcast %mul3A_223 : i32 to vector<16xi32>
      %mul3A_225 = arith.muli %get3A_222, %mul3A_224 : vector<16xi32>
      %jit3A_226 = arith.constant 200 : i32
      %eq3A_227 = arith.constant 0 : i32
      %eq3A_228 = arith.cmpi eq, %jit3A_226, %eq3A_227 : i32
      %jit3A_229 = arith.constant 1 : i32
      %select_n3A_230 = arith.select %eq3A_228, %jit3A_229, %jit3A_226 : i32
      %rem3A_231 = vector.broadcast %select_n3A_230 : i32 to vector<16xi32>
      %rem3A_232 = arith.remsi %add3A_218, %rem3A_231 : vector<16xi32>
      %ne3A_233 = arith.constant 0 : i32
      %ne3A_234 = vector.broadcast %ne3A_233 : i32 to vector<16xi32>
      %ne3A_235 = arith.cmpi ne, %rem3A_232, %ne3A_234 : vector<16xi32>
      %lt3A_236 = arith.constant 0 : i32
      %lt3A_237 = vector.broadcast %lt3A_236 : i32 to vector<16xi32>
      %lt3A_238 = arith.cmpi slt, %rem3A_232, %lt3A_237 : vector<16xi32>
      %lt3A_239 = arith.constant 0 : i32
      %lt3A_240 = arith.cmpi slt, %select_n3A_230, %lt3A_239 : i32
      %ne3A_241 = vector.broadcast %lt3A_240 : i1 to vector<16xi1>
      %ne3A_242 = vector.broadcast %ne3A_241 : vector<16xi1> to vector<16xi1>
      %ne3A_243 = arith.xori %lt3A_238, %ne3A_242 : vector<16xi1>
      %and3A_244 = arith.andi %ne3A_243, %ne3A_235 : vector<16xi1>
      %add3A_245 = vector.broadcast %select_n3A_230 : i32 to vector<16xi32>
      %add3A_246 = arith.addi %rem3A_232, %add3A_245 : vector<16xi32>
      %select_n3A_247 = arith.select %and3A_244, %add3A_246, %rem3A_232 : vector<16xi1>, vector<16xi32>
      %add3A_248 = arith.addi %mul3A_225, %select_n3A_247 : vector<16xi32>
      %swap3A_249 = arith.index_cast %scan3A_134 : i32 to index
      %swap3A_250 = arith.constant 32 : index
      %swap3A_251 = tpu.vector_load %arg9[%swap3A_249, %swap3A_250] {strides = array<i32>} : memref<50x128xi32, #tpu.memory_space<vmem>>, vector<1x16xi32>,
      %swap3A_252 = vector.shape_cast %swap3A_251 : vector<1x16xi32> to vector<16xi32>
      %swap3A_253 = vector.shape_cast %add3A_248 : vector<16xi32> to vector<1x16xi32>
      tpu.vector_store %arg9[%swap3A_249, %swap3A_250], %swap3A_253 {strides = array<i32>} : memref<50x128xi32, #tpu.memory_space<vmem>>, vector<1x16xi32>,
      %mul3A_254 = arith.constant 128 : i32
      %mul3A_255 = arith.muli %scan3A_134, %mul3A_254 : i32
      %add3A_256 = arith.addi %mul3A_2, %mul3A_255 : i32
      %add3A_257 = arith.constant 48 : i32
      %add3A_258 = arith.addi %add3A_256, %add3A_257 : i32
      %iota3A_259 = tpu.iota {dimensions = array<i32: 0>} : vector<16xi32>
      %add3A_260 = vector.broadcast %add3A_258 : i32 to vector<16xi32>
      %add3A_261 = arith.addi %add3A_260, %iota3A_259 : vector<16xi32>
      %get3A_262 = arith.index_cast %scan3A_134 : i32 to index
      %get3A_263 = arith.constant 48 : index
      %get3A_264 = tpu.vector_load %arg9[%get3A_262, %get3A_263] {strides = array<i32>} : memref<50x128xi32, #tpu.memory_space<vmem>>, vector<1x16xi32>,
      %get3A_265 = vector.shape_cast %get3A_264 : vector<1x16xi32> to vector<16xi32>
      %mul3A_266 = arith.constant 200 : i32
      %mul3A_267 = vector.broadcast %mul3A_266 : i32 to vector<16xi32>
      %mul3A_268 = arith.muli %get3A_265, %mul3A_267 : vector<16xi32>
      %jit3A_269 = arith.constant 200 : i32
      %eq3A_270 = arith.constant 0 : i32
      %eq3A_271 = arith.cmpi eq, %jit3A_269, %eq3A_270 : i32
      %jit3A_272 = arith.constant 1 : i32
      %select_n3A_273 = arith.select %eq3A_271, %jit3A_272, %jit3A_269 : i32
      %rem3A_274 = vector.broadcast %select_n3A_273 : i32 to vector<16xi32>
      %rem3A_275 = arith.remsi %add3A_261, %rem3A_274 : vector<16xi32>
      %ne3A_276 = arith.constant 0 : i32
      %ne3A_277 = vector.broadcast %ne3A_276 : i32 to vector<16xi32>
      %ne3A_278 = arith.cmpi ne, %rem3A_275, %ne3A_277 : vector<16xi32>
      %lt3A_279 = arith.constant 0 : i32
      %lt3A_280 = vector.broadcast %lt3A_279 : i32 to vector<16xi32>
      %lt3A_281 = arith.cmpi slt, %rem3A_275, %lt3A_280 : vector<16xi32>
      %lt3A_282 = arith.constant 0 : i32
      %lt3A_283 = arith.cmpi slt, %select_n3A_273, %lt3A_282 : i32
      %ne3A_284 = vector.broadcast %lt3A_283 : i1 to vector<16xi1>
      %ne3A_285 = vector.broadcast %ne3A_284 : vector<16xi1> to vector<16xi1>
      %ne3A_286 = arith.xori %lt3A_281, %ne3A_285 : vector<16xi1>
      %and3A_287 = arith.andi %ne3A_286, %ne3A_278 : vector<16xi1>
      %add3A_288 = vector.broadcast %select_n3A_273 : i32 to vector<16xi32>
      %add3A_289 = arith.addi %rem3A_275, %add3A_288 : vector<16xi32>
      %select_n3A_290 = arith.select %and3A_287, %add3A_289, %rem3A_275 : vector<16xi1>, vector<16xi32>
      %add3A_291 = arith.addi %mul3A_268, %select_n3A_290 : vector<16xi32>
      %swap3A_292 = arith.index_cast %scan3A_134 : i32 to index
      %swap3A_293 = arith.constant 48 : index
      %swap3A_294 = tpu.vector_load %arg9[%swap3A_292, %swap3A_293] {strides = array<i32>} : memref<50x128xi32, #tpu.memory_space<vmem>>, vector<1x16xi32>,
      %swap3A_295 = vector.shape_cast %swap3A_294 : vector<1x16xi32> to vector<16xi32>
      %swap3A_296 = vector.shape_cast %add3A_291 : vector<16xi32> to vector<1x16xi32>
      tpu.vector_store %arg9[%swap3A_292, %swap3A_293], %swap3A_296 {strides = array<i32>} : memref<50x128xi32, #tpu.memory_space<vmem>>, vector<1x16xi32>,
      %mul3A_297 = arith.constant 128 : i32
      %mul3A_298 = arith.muli %scan3A_134, %mul3A_297 : i32
      %add3A_299 = arith.addi %mul3A_2, %mul3A_298 : i32
      %add3A_300 = arith.constant 64 : i32
      %add3A_301 = arith.addi %add3A_299, %add3A_300 : i32
      %iota3A_302 = tpu.iota {dimensions = array<i32: 0>} : vector<16xi32>
      %add3A_303 = vector.broadcast %add3A_301 : i32 to vector<16xi32>
      %add3A_304 = arith.addi %add3A_303, %iota3A_302 : vector<16xi32>
      %get3A_305 = arith.index_cast %scan3A_134 : i32 to index
      %get3A_306 = arith.constant 64 : index
      %get3A_307 = tpu.vector_load %arg9[%get3A_305, %get3A_306] {strides = array<i32>} : memref<50x128xi32, #tpu.memory_space<vmem>>, vector<1x16xi32>,
      %get3A_308 = vector.shape_cast %get3A_307 : vector<1x16xi32> to vector<16xi32>
      %mul3A_309 = arith.constant 200 : i32
      %mul3A_310 = vector.broadcast %mul3A_309 : i32 to vector<16xi32>
      %mul3A_311 = arith.muli %get3A_308, %mul3A_310 : vector<16xi32>
      %jit3A_312 = arith.constant 200 : i32
      %eq3A_313 = arith.constant 0 : i32
      %eq3A_314 = arith.cmpi eq, %jit3A_312, %eq3A_313 : i32
      %jit3A_315 = arith.constant 1 : i32
      %select_n3A_316 = arith.select %eq3A_314, %jit3A_315, %jit3A_312 : i32
      %rem3A_317 = vector.broadcast %select_n3A_316 : i32 to vector<16xi32>
      %rem3A_318 = arith.remsi %add3A_304, %rem3A_317 : vector<16xi32>
      %ne3A_319 = arith.constant 0 : i32
      %ne3A_320 = vector.broadcast %ne3A_319 : i32 to vector<16xi32>
      %ne3A_321 = arith.cmpi ne, %rem3A_318, %ne3A_320 : vector<16xi32>
      %lt3A_322 = arith.constant 0 : i32
      %lt3A_323 = vector.broadcast %lt3A_322 : i32 to vector<16xi32>
      %lt3A_324 = arith.cmpi slt, %rem3A_318, %lt3A_323 : vector<16xi32>
      %lt3A_325 = arith.constant 0 : i32
      %lt3A_326 = arith.cmpi slt, %select_n3A_316, %lt3A_325 : i32
      %ne3A_327 = vector.broadcast %lt3A_326 : i1 to vector<16xi1>
      %ne3A_328 = vector.broadcast %ne3A_327 : vector<16xi1> to vector<16xi1>
      %ne3A_329 = arith.xori %lt3A_324, %ne3A_328 : vector<16xi1>
      %and3A_330 = arith.andi %ne3A_329, %ne3A_321 : vector<16xi1>
      %add3A_331 = vector.broadcast %select_n3A_316 : i32 to vector<16xi32>
      %add3A_332 = arith.addi %rem3A_318, %add3A_331 : vector<16xi32>
      %select_n3A_333 = arith.select %and3A_330, %add3A_332, %rem3A_318 : vector<16xi1>, vector<16xi32>
      %add3A_334 = arith.addi %mul3A_311, %select_n3A_333 : vector<16xi32>
      %swap3A_335 = arith.index_cast %scan3A_134 : i32 to index
      %swap3A_336 = arith.constant 64 : index
      %swap3A_337 = tpu.vector_load %arg9[%swap3A_335, %swap3A_336] {strides = array<i32>} : memref<50x128xi32, #tpu.memory_space<vmem>>, vector<1x16xi32>,
      %swap3A_338 = vector.shape_cast %swap3A_337 : vector<1x16xi32> to vector<16xi32>
      %swap3A_339 = vector.shape_cast %add3A_334 : vector<16xi32> to vector<1x16xi32>
      tpu.vector_store %arg9[%swap3A_335, %swap3A_336], %swap3A_339 {strides = array<i32>} : memref<50x128xi32, #tpu.memory_space<vmem>>, vector<1x16xi32>,
      %mul3A_340 = arith.constant 128 : i32
      %mul3A_341 = arith.muli %scan3A_134, %mul3A_340 : i32
      %add3A_342 = arith.addi %mul3A_2, %mul3A_341 : i32
      %add3A_343 = arith.constant 80 : i32
      %add3A_344 = arith.addi %add3A_342, %add3A_343 : i32
      %iota3A_345 = tpu.iota {dimensions = array<i32: 0>} : vector<16xi32>
      %add3A_346 = vector.broadcast %add3A_344 : i32 to vector<16xi32>
      %add3A_347 = arith.addi %add3A_346, %iota3A_345 : vector<16xi32>
      %get3A_348 = arith.index_cast %scan3A_134 : i32 to index
      %get3A_349 = arith.constant 80 : index
      %get3A_350 = tpu.vector_load %arg9[%get3A_348, %get3A_349] {strides = array<i32>} : memref<50x128xi32, #tpu.memory_space<vmem>>, vector<1x16xi32>,
      %get3A_351 = vector.shape_cast %get3A_350 : vector<1x16xi32> to vector<16xi32>
      %mul3A_352 = arith.constant 200 : i32
      %mul3A_353 = vector.broadcast %mul3A_352 : i32 to vector<16xi32>
      %mul3A_354 = arith.muli %get3A_351, %mul3A_353 : vector<16xi32>
      %jit3A_355 = arith.constant 200 : i32
      %eq3A_356 = arith.constant 0 : i32
      %eq3A_357 = arith.cmpi eq, %jit3A_355, %eq3A_356 : i32
      %jit3A_358 = arith.constant 1 : i32
      %select_n3A_359 = arith.select %eq3A_357, %jit3A_358, %jit3A_355 : i32
      %rem3A_360 = vector.broadcast %select_n3A_359 : i32 to vector<16xi32>
      %rem3A_361 = arith.remsi %add3A_347, %rem3A_360 : vector<16xi32>
      %ne3A_362 = arith.constant 0 : i32
      %ne3A_363 = vector.broadcast %ne3A_362 : i32 to vector<16xi32>
      %ne3A_364 = arith.cmpi ne, %rem3A_361, %ne3A_363 : vector<16xi32>
      %lt3A_365 = arith.constant 0 : i32
      %lt3A_366 = vector.broadcast %lt3A_365 : i32 to vector<16xi32>
      %lt3A_367 = arith.cmpi slt, %rem3A_361, %lt3A_366 : vector<16xi32>
      %lt3A_368 = arith.constant 0 : i32
      %lt3A_369 = arith.cmpi slt, %select_n3A_359, %lt3A_368 : i32
      %ne3A_370 = vector.broadcast %lt3A_369 : i1 to vector<16xi1>
      %ne3A_371 = vector.broadcast %ne3A_370 : vector<16xi1> to vector<16xi1>
      %ne3A_372 = arith.xori %lt3A_367, %ne3A_371 : vector<16xi1>
      %and3A_373 = arith.andi %ne3A_372, %ne3A_364 : vector<16xi1>
      %add3A_374 = vector.broadcast %select_n3A_359 : i32 to vector<16xi32>
      %add3A_375 = arith.addi %rem3A_361, %add3A_374 : vector<16xi32>
      %select_n3A_376 = arith.select %and3A_373, %add3A_375, %rem3A_361 : vector<16xi1>, vector<16xi32>
      %add3A_377 = arith.addi %mul3A_354, %select_n3A_376 : vector<16xi32>
      %swap3A_378 = arith.index_cast %scan3A_134 : i32 to index
      %swap3A_379 = arith.constant 80 : index
      %swap3A_380 = tpu.vector_load %arg9[%swap3A_378, %swap3A_379] {strides = array<i32>} : memref<50x128xi32, #tpu.memory_space<vmem>>, vector<1x16xi32>,
      %swap3A_381 = vector.shape_cast %swap3A_380 : vector<1x16xi32> to vector<16xi32>
      %swap3A_382 = vector.shape_cast %add3A_377 : vector<16xi32> to vector<1x16xi32>
      tpu.vector_store %arg9[%swap3A_378, %swap3A_379], %swap3A_382 {strides = array<i32>} : memref<50x128xi32, #tpu.memory_space<vmem>>, vector<1x16xi32>,
      %mul3A_383 = arith.constant 128 : i32
      %mul3A_384 = arith.muli %scan3A_134, %mul3A_383 : i32
      %add3A_385 = arith.addi %mul3A_2, %mul3A_384 : i32
      %add3A_386 = arith.constant 96 : i32
      %add3A_387 = arith.addi %add3A_385, %add3A_386 : i32
      %iota3A_388 = tpu.iota {dimensions = array<i32: 0>} : vector<16xi32>
      %add3A_389 = vector.broadcast %add3A_387 : i32 to vector<16xi32>
      %add3A_390 = arith.addi %add3A_389, %iota3A_388 : vector<16xi32>
      %get3A_391 = arith.index_cast %scan3A_134 : i32 to index
      %get3A_392 = arith.constant 96 : index
      %get3A_393 = tpu.vector_load %arg9[%get3A_391, %get3A_392] {strides = array<i32>} : memref<50x128xi32, #tpu.memory_space<vmem>>, vector<1x16xi32>,
      %get3A_394 = vector.shape_cast %get3A_393 : vector<1x16xi32> to vector<16xi32>
      %mul3A_395 = arith.constant 200 : i32
      %mul3A_396 = vector.broadcast %mul3A_395 : i32 to vector<16xi32>
      %mul3A_397 = arith.muli %get3A_394, %mul3A_396 : vector<16xi32>
      %jit3A_398 = arith.constant 200 : i32
      %eq3A_399 = arith.constant 0 : i32
      %eq3A_400 = arith.cmpi eq, %jit3A_398, %eq3A_399 : i32
      %jit3A_401 = arith.constant 1 : i32
      %select_n3A_402 = arith.select %eq3A_400, %jit3A_401, %jit3A_398 : i32
      %rem3A_403 = vector.broadcast %select_n3A_402 : i32 to vector<16xi32>
      %rem3A_404 = arith.remsi %add3A_390, %rem3A_403 : vector<16xi32>
      %ne3A_405 = arith.constant 0 : i32
      %ne3A_406 = vector.broadcast %ne3A_405 : i32 to vector<16xi32>
      %ne3A_407 = arith.cmpi ne, %rem3A_404, %ne3A_406 : vector<16xi32>
      %lt3A_408 = arith.constant 0 : i32
      %lt3A_409 = vector.broadcast %lt3A_408 : i32 to vector<16xi32>
      %lt3A_410 = arith.cmpi slt, %rem3A_404, %lt3A_409 : vector<16xi32>
      %lt3A_411 = arith.constant 0 : i32
      %lt3A_412 = arith.cmpi slt, %select_n3A_402, %lt3A_411 : i32
      %ne3A_413 = vector.broadcast %lt3A_412 : i1 to vector<16xi1>
      %ne3A_414 = vector.broadcast %ne3A_413 : vector<16xi1> to vector<16xi1>
      %ne3A_415 = arith.xori %lt3A_410, %ne3A_414 : vector<16xi1>
      %and3A_416 = arith.andi %ne3A_415, %ne3A_407 : vector<16xi1>
      %add3A_417 = vector.broadcast %select_n3A_402 : i32 to vector<16xi32>
      %add3A_418 = arith.addi %rem3A_404, %add3A_417 : vector<16xi32>
      %select_n3A_419 = arith.select %and3A_416, %add3A_418, %rem3A_404 : vector<16xi1>, vector<16xi32>
      %add3A_420 = arith.addi %mul3A_397, %select_n3A_419 : vector<16xi32>
      %swap3A_421 = arith.index_cast %scan3A_134 : i32 to index
      %swap3A_422 = arith.constant 96 : index
      %swap3A_423 = tpu.vector_load %arg9[%swap3A_421, %swap3A_422] {strides = array<i32>} : memref<50x128xi32, #tpu.memory_space<vmem>>, vector<1x16xi32>,
      %swap3A_424 = vector.shape_cast %swap3A_423 : vector<1x16xi32> to vector<16xi32>
      %swap3A_425 = vector.shape_cast %add3A_420 : vector<16xi32> to vector<1x16xi32>
      tpu.vector_store %arg9[%swap3A_421, %swap3A_422], %swap3A_425 {strides = array<i32>} : memref<50x128xi32, #tpu.memory_space<vmem>>, vector<1x16xi32>,
      %mul3A_426 = arith.constant 128 : i32
      %mul3A_427 = arith.muli %scan3A_134, %mul3A_426 : i32
      %add3A_428 = arith.addi %mul3A_2, %mul3A_427 : i32
      %add3A_429 = arith.constant 112 : i32
      %add3A_430 = arith.addi %add3A_428, %add3A_429 : i32
      %iota3A_431 = tpu.iota {dimensions = array<i32: 0>} : vector<16xi32>
      %add3A_432 = vector.broadcast %add3A_430 : i32 to vector<16xi32>
      %add3A_433 = arith.addi %add3A_432, %iota3A_431 : vector<16xi32>
      %get3A_434 = arith.index_cast %scan3A_134 : i32 to index
      %get3A_435 = arith.constant 112 : index
      %get3A_436 = tpu.vector_load %arg9[%get3A_434, %get3A_435] {strides = array<i32>} : memref<50x128xi32, #tpu.memory_space<vmem>>, vector<1x16xi32>,
      %get3A_437 = vector.shape_cast %get3A_436 : vector<1x16xi32> to vector<16xi32>
      %mul3A_438 = arith.constant 200 : i32
      %mul3A_439 = vector.broadcast %mul3A_438 : i32 to vector<16xi32>
      %mul3A_440 = arith.muli %get3A_437, %mul3A_439 : vector<16xi32>
      %jit3A_441 = arith.constant 200 : i32
      %eq3A_442 = arith.constant 0 : i32
      %eq3A_443 = arith.cmpi eq, %jit3A_441, %eq3A_442 : i32
      %jit3A_444 = arith.constant 1 : i32
      %select_n3A_445 = arith.select %eq3A_443, %jit3A_444, %jit3A_441 : i32
      %rem3A_446 = vector.broadcast %select_n3A_445 : i32 to vector<16xi32>
      %rem3A_447 = arith.remsi %add3A_433, %rem3A_446 : vector<16xi32>
      %ne3A_448 = arith.constant 0 : i32
      %ne3A_449 = vector.broadcast %ne3A_448 : i32 to vector<16xi32>
      %ne3A_450 = arith.cmpi ne, %rem3A_447, %ne3A_449 : vector<16xi32>
      %lt3A_451 = arith.constant 0 : i32
      %lt3A_452 = vector.broadcast %lt3A_451 : i32 to vector<16xi32>
      %lt3A_453 = arith.cmpi slt, %rem3A_447, %lt3A_452 : vector<16xi32>
      %lt3A_454 = arith.constant 0 : i32
      %lt3A_455 = arith.cmpi slt, %select_n3A_445, %lt3A_454 : i32
      %ne3A_456 = vector.broadcast %lt3A_455 : i1 to vector<16xi1>
      %ne3A_457 = vector.broadcast %ne3A_456 : vector<16xi1> to vector<16xi1>
      %ne3A_458 = arith.xori %lt3A_453, %ne3A_457 : vector<16xi1>
      %and3A_459 = arith.andi %ne3A_458, %ne3A_450 : vector<16xi1>
      %add3A_460 = vector.broadcast %select_n3A_445 : i32 to vector<16xi32>
      %add3A_461 = arith.addi %rem3A_447, %add3A_460 : vector<16xi32>
      %select_n3A_462 = arith.select %and3A_459, %add3A_461, %rem3A_447 : vector<16xi1>, vector<16xi32>
      %add3A_463 = arith.addi %mul3A_440, %select_n3A_462 : vector<16xi32>
      %swap3A_464 = arith.index_cast %scan3A_134 : i32 to index
      %swap3A_465 = arith.constant 112 : index
      %swap3A_466 = tpu.vector_load %arg9[%swap3A_464, %swap3A_465] {strides = array<i32>} : memref<50x128xi32, #tpu.memory_space<vmem>>, vector<1x16xi32>,
      %swap3A_467 = vector.shape_cast %swap3A_466 : vector<1x16xi32> to vector<16xi32>
      %swap3A_468 = vector.shape_cast %add3A_463 : vector<16xi32> to vector<1x16xi32>
      tpu.vector_store %arg9[%swap3A_464, %swap3A_465], %swap3A_468 {strides = array<i32>} : memref<50x128xi32, #tpu.memory_space<vmem>>, vector<1x16xi32>,
    }
    %scan3A_50 = arith.constant 50 : i32
    %barrier3A = arith.constant 0 : index
    tpu.barrier barrier_id(%barrier3A)
    %scan3A_51 = arith.constant 0 : i32
    %scan3A_52 = arith.constant 0 : i32
    %scan3A_53 = arith.constant 12 : i32
    %scan3A_54 = arith.addi %scan3A_52, %scan3A_53 : i32
    %scan3A_55 = arith.constant 1 : i32
    scf.for %scan3A_134 = %scan3A_52 to %scan3A_54 step %scan3A_55  : i32 {
      %mul3A_135 = arith.constant 4 : i32
      %mul3A_136 = arith.muli %mul3A_135, %scan3A_134 : i32
      %add3A_137 = arith.constant 0 : i32
      %add3A_138 = arith.addi %mul3A_136, %add3A_137 : i32
      %dma_wait3A_139 = arith.constant 0 : i32
      %dma_wait3A_140 = tpu.memref_slice %arg8[%add3A_138, %dma_wait3A_139] : memref<50x128xi32, #tpu.memory_space<vmem>> -> memref<1x128xi32, #tpu.memory_space<vmem>>
      %dma_wait3A_141 = tpu.memref_squeeze %dma_wait3A_140 : memref<1x128xi32, #tpu.memory_space<vmem>> -> memref<128xi32, #tpu.memory_space<vmem>>
      %dma_wait3A_142 = arith.constant 0 : i32
      %dma_wait3A_143 = arith.constant 0 : i32
      %dma_wait3A_144 = tpu.memref_slice %arg4[%dma_wait3A_142, %dma_wait3A_143] : memref<100000x128xf32, #tpu.memory_space<hbm>> -> memref<100000x128xf32, #tpu.memory_space<hbm>>
      tpu.wait_indirect_dma semaphore(%arg18 : memref<!tpu.dma_semaphore, #tpu.memory_space<semaphore_mem>>) src(%dma_wait3A_144 : memref<100000x128xf32, #tpu.memory_space<hbm>>) dst(%arg14 : memref<128x128xf32, #tpu.memory_space<vmem>>)
      %dma_start3A_145 = arith.constant 0 : i32
      %dma_start3A_146 = tpu.memref_slice %arg9[%add3A_138, %dma_start3A_145] : memref<50x128xi32, #tpu.memory_space<vmem>> -> memref<1x128xi32, #tpu.memory_space<vmem>>
      %dma_start3A_147 = tpu.memref_squeeze %dma_start3A_146 : memref<1x128xi32, #tpu.memory_space<vmem>> -> memref<128xi32, #tpu.memory_space<vmem>>
      %dma_start3A_148 = arith.constant 0 : i32
      %dma_start3A_149 = arith.constant 0 : i32
      %dma_start3A_150 = tpu.memref_slice %arg10[%dma_start3A_148, %dma_start3A_149] : memref<600x128xf32, #tpu.memory_space<vmem_shared>> -> memref<600x128xf32, #tpu.memory_space<vmem_shared>>
      tpu.enqueue_indirect_dma source(%dma_start3A_150 : memref<600x128xf32, #tpu.memory_space<vmem_shared>>) target(%arg14 : memref<128x128xf32, #tpu.memory_space<vmem>>) offsets(%dma_start3A_147 : memref<128xi32, #tpu.memory_space<vmem>>) semaphore(%arg22 : memref<!tpu.dma_semaphore, #tpu.memory_space<semaphore_mem>>) {add = true}
      %ge3A = arith.constant 2 : i32
      %ge3A_151 = arith.cmpi sge, %add3A_138, %ge3A : i32
      %convert_element_type3A = arith.extui %ge3A_151 : i1 to i32
      %cond3A = arith.constant 0 : i32
      %cond3A_152 = arith.cmpi ne, %convert_element_type3A, %cond3A : i32
      scf.if %cond3A_152 {
        %sub3A = arith.constant 2 : i32
        %sub3A_295 = arith.subi %add3A_138, %sub3A : i32
        %mul3A_296 = arith.constant 128 : i32
        %mul3A_297 = arith.muli %sub3A_295, %mul3A_296 : i32
        %add3A_298 = arith.addi %mul3A_2, %mul3A_297 : i32
        %dma_wait3A_299 = arith.constant 0 : i32
        %dma_wait3A_300 = tpu.memref_slice %arg7[%add3A_298, %dma_wait3A_299] : memref<204800x128xf32, #tpu.memory_space<hbm>> -> memref<128x128xf32, #tpu.memory_space<hbm>>
        %dma_wait3A_301 = arith.constant 0 : i32
        %dma_wait3A_302 = tpu.memref_slice %arg7[%add3A_298, %dma_wait3A_301] : memref<204800x128xf32, #tpu.memory_space<hbm>> -> memref<128x128xf32, #tpu.memory_space<hbm>>
        tpu.wait_dma2 semaphore(%arg28 : memref<!tpu.dma_semaphore, #tpu.memory_space<semaphore_mem>>) src(%arg16 : memref<128x128xf32, #tpu.memory_space<vmem>>) dst(%dma_wait3A_302 : memref<128x128xf32, #tpu.memory_space<hbm>>)
      } else {
      }
      %add3A_153 = arith.constant 2 : i32
      %add3A_154 = arith.addi %add3A_138, %add3A_153 : i32
      %lt3A = arith.constant 50 : i32
      %lt3A_155 = arith.cmpi slt, %add3A_154, %lt3A : i32
      %convert_element_type3A_156 = arith.extui %lt3A_155 : i1 to i32
      %cond3A_157 = arith.constant 0 : i32
      %cond3A_158 = arith.cmpi ne, %convert_element_type3A_156, %cond3A_157 : i32
      scf.if %cond3A_158 {
        %add3A_295 = arith.constant 2 : i32
        %add3A_296 = arith.addi %add3A_138, %add3A_295 : i32
        %dma_start3A_297 = arith.constant 0 : i32
        %dma_start3A_298 = tpu.memref_slice %arg8[%add3A_296, %dma_start3A_297] : memref<50x128xi32, #tpu.memory_space<vmem>> -> memref<1x128xi32, #tpu.memory_space<vmem>>
        %dma_start3A_299 = tpu.memref_squeeze %dma_start3A_298 : memref<1x128xi32, #tpu.memory_space<vmem>> -> memref<128xi32, #tpu.memory_space<vmem>>
        %dma_start3A_300 = arith.constant 0 : i32
        %dma_start3A_301 = arith.constant 0 : i32
        %dma_start3A_302 = tpu.memref_slice %arg4[%dma_start3A_300, %dma_start3A_301] : memref<100000x128xf32, #tpu.memory_space<hbm>> -> memref<100000x128xf32, #tpu.memory_space<hbm>>
        tpu.enqueue_indirect_dma source(%dma_start3A_302 : memref<100000x128xf32, #tpu.memory_space<hbm>>) target(%arg16 : memref<128x128xf32, #tpu.memory_space<vmem>>) offsets(%dma_start3A_299 : memref<128xi32, #tpu.memory_space<vmem>>) semaphore(%arg20 : memref<!tpu.dma_semaphore, #tpu.memory_space<semaphore_mem>>)
      } else {
      }
      %dma_wait3A_159 = arith.constant 0 : i32
      %dma_wait3A_160 = tpu.memref_slice %arg9[%add3A_138, %dma_wait3A_159] : memref<50x128xi32, #tpu.memory_space<vmem>> -> memref<1x128xi32, #tpu.memory_space<vmem>>
      %dma_wait3A_161 = tpu.memref_squeeze %dma_wait3A_160 : memref<1x128xi32, #tpu.memory_space<vmem>> -> memref<128xi32, #tpu.memory_space<vmem>>
      %dma_wait3A_162 = arith.constant 0 : i32
      %dma_wait3A_163 = arith.constant 0 : i32
      %dma_wait3A_164 = tpu.memref_slice %arg10[%dma_wait3A_162, %dma_wait3A_163] : memref<600x128xf32, #tpu.memory_space<vmem_shared>> -> memref<600x128xf32, #tpu.memory_space<vmem_shared>>
      tpu.wait_indirect_dma semaphore(%arg22 : memref<!tpu.dma_semaphore, #tpu.memory_space<semaphore_mem>>) src(%dma_wait3A_164 : memref<600x128xf32, #tpu.memory_space<vmem_shared>>) dst(%arg14 : memref<128x128xf32, #tpu.memory_space<vmem>>)
      %mul3A_165 = arith.constant 128 : i32
      %mul3A_166 = arith.muli %add3A_138, %mul3A_165 : i32
      %add3A_167 = arith.addi %mul3A_2, %mul3A_166 : i32
      %dma_start3A_168 = arith.constant 0 : i32
      %dma_start3A_169 = tpu.memref_slice %arg7[%add3A_167, %dma_start3A_168] : memref<204800x128xf32, #tpu.memory_space<hbm>> -> memref<128x128xf32, #tpu.memory_space<hbm>>
      %dma_start3A_170 = arith.constant 0 : i32
      %dma_start3A_171 = tpu.memref_slice %arg7[%add3A_167, %dma_start3A_170] : memref<204800x128xf32, #tpu.memory_space<hbm>> -> memref<128x128xf32, #tpu.memory_space<hbm>>
      tpu.enqueue_dma source(%arg14 : memref<128x128xf32, #tpu.memory_space<vmem>>) target(%dma_start3A_171 : memref<128x128xf32, #tpu.memory_space<hbm>>) target_semaphore(%arg26 : memref<!tpu.dma_semaphore, #tpu.memory_space<semaphore_mem>>)
      %mul3A_172 = arith.constant 4 : i32
      %mul3A_173 = arith.muli %mul3A_172, %scan3A_134 : i32
      %add3A_174 = arith.constant 1 : i32
      %add3A_175 = arith.addi %mul3A_173, %add3A_174 : i32
      %dma_wait3A_176 = arith.constant 0 : i32
      %dma_wait3A_177 = tpu.memref_slice %arg8[%add3A_175, %dma_wait3A_176] : memref<50x128xi32, #tpu.memory_space<vmem>> -> memref<1x128xi32, #tpu.memory_space<vmem>>
      %dma_wait3A_178 = tpu.memref_squeeze %dma_wait3A_177 : memref<1x128xi32, #tpu.memory_space<vmem>> -> memref<128xi32, #tpu.memory_space<vmem>>
      %dma_wait3A_179 = arith.constant 0 : i32
      %dma_wait3A_180 = arith.constant 0 : i32
      %dma_wait3A_181 = tpu.memref_slice %arg4[%dma_wait3A_179, %dma_wait3A_180] : memref<100000x128xf32, #tpu.memory_space<hbm>> -> memref<100000x128xf32, #tpu.memory_space<hbm>>
      tpu.wait_indirect_dma semaphore(%arg19 : memref<!tpu.dma_semaphore, #tpu.memory_space<semaphore_mem>>) src(%dma_wait3A_181 : memref<100000x128xf32, #tpu.memory_space<hbm>>) dst(%arg15 : memref<128x128xf32, #tpu.memory_space<vmem>>)
      %dma_start3A_182 = arith.constant 0 : i32
      %dma_start3A_183 = tpu.memref_slice %arg9[%add3A_175, %dma_start3A_182] : memref<50x128xi32, #tpu.memory_space<vmem>> -> memref<1x128xi32, #tpu.memory_space<vmem>>
      %dma_start3A_184 = tpu.memref_squeeze %dma_start3A_183 : memref<1x128xi32, #tpu.memory_space<vmem>> -> memref<128xi32, #tpu.memory_space<vmem>>
      %dma_start3A_185 = arith.constant 0 : i32
      %dma_start3A_186 = arith.constant 0 : i32
      %dma_start3A_187 = tpu.memref_slice %arg10[%dma_start3A_185, %dma_start3A_186] : memref<600x128xf32, #tpu.memory_space<vmem_shared>> -> memref<600x128xf32, #tpu.memory_space<vmem_shared>>
      tpu.enqueue_indirect_dma source(%dma_start3A_187 : memref<600x128xf32, #tpu.memory_space<vmem_shared>>) target(%arg15 : memref<128x128xf32, #tpu.memory_space<vmem>>) offsets(%dma_start3A_184 : memref<128xi32, #tpu.memory_space<vmem>>) semaphore(%arg23 : memref<!tpu.dma_semaphore, #tpu.memory_space<semaphore_mem>>) {add = true}
      %ge3A_188 = arith.constant 2 : i32
      %ge3A_189 = arith.cmpi sge, %add3A_175, %ge3A_188 : i32
      %convert_element_type3A_190 = arith.extui %ge3A_189 : i1 to i32
      %cond3A_191 = arith.constant 0 : i32
      %cond3A_192 = arith.cmpi ne, %convert_element_type3A_190, %cond3A_191 : i32
      scf.if %cond3A_192 {
        %sub3A = arith.constant 2 : i32
        %sub3A_295 = arith.subi %add3A_175, %sub3A : i32
        %mul3A_296 = arith.constant 128 : i32
        %mul3A_297 = arith.muli %sub3A_295, %mul3A_296 : i32
        %add3A_298 = arith.addi %mul3A_2, %mul3A_297 : i32
        %dma_wait3A_299 = arith.constant 0 : i32
        %dma_wait3A_300 = tpu.memref_slice %arg7[%add3A_298, %dma_wait3A_299] : memref<204800x128xf32, #tpu.memory_space<hbm>> -> memref<128x128xf32, #tpu.memory_space<hbm>>
        %dma_wait3A_301 = arith.constant 0 : i32
        %dma_wait3A_302 = tpu.memref_slice %arg7[%add3A_298, %dma_wait3A_301] : memref<204800x128xf32, #tpu.memory_space<hbm>> -> memref<128x128xf32, #tpu.memory_space<hbm>>
        tpu.wait_dma2 semaphore(%arg29 : memref<!tpu.dma_semaphore, #tpu.memory_space<semaphore_mem>>) src(%arg17 : memref<128x128xf32, #tpu.memory_space<vmem>>) dst(%dma_wait3A_302 : memref<128x128xf32, #tpu.memory_space<hbm>>)
      } else {
      }
      %add3A_193 = arith.constant 2 : i32
      %add3A_194 = arith.addi %add3A_175, %add3A_193 : i32
      %lt3A_195 = arith.constant 50 : i32
      %lt3A_196 = arith.cmpi slt, %add3A_194, %lt3A_195 : i32
      %convert_element_type3A_197 = arith.extui %lt3A_196 : i1 to i32
      %cond3A_198 = arith.constant 0 : i32
      %cond3A_199 = arith.cmpi ne, %convert_element_type3A_197, %cond3A_198 : i32
      scf.if %cond3A_199 {
        %add3A_295 = arith.constant 2 : i32
        %add3A_296 = arith.addi %add3A_175, %add3A_295 : i32
        %dma_start3A_297 = arith.constant 0 : i32
        %dma_start3A_298 = tpu.memref_slice %arg8[%add3A_296, %dma_start3A_297] : memref<50x128xi32, #tpu.memory_space<vmem>> -> memref<1x128xi32, #tpu.memory_space<vmem>>
        %dma_start3A_299 = tpu.memref_squeeze %dma_start3A_298 : memref<1x128xi32, #tpu.memory_space<vmem>> -> memref<128xi32, #tpu.memory_space<vmem>>
        %dma_start3A_300 = arith.constant 0 : i32
        %dma_start3A_301 = arith.constant 0 : i32
        %dma_start3A_302 = tpu.memref_slice %arg4[%dma_start3A_300, %dma_start3A_301] : memref<100000x128xf32, #tpu.memory_space<hbm>> -> memref<100000x128xf32, #tpu.memory_space<hbm>>
        tpu.enqueue_indirect_dma source(%dma_start3A_302 : memref<100000x128xf32, #tpu.memory_space<hbm>>) target(%arg17 : memref<128x128xf32, #tpu.memory_space<vmem>>) offsets(%dma_start3A_299 : memref<128xi32, #tpu.memory_space<vmem>>) semaphore(%arg21 : memref<!tpu.dma_semaphore, #tpu.memory_space<semaphore_mem>>)
      } else {
      }
      %dma_wait3A_200 = arith.constant 0 : i32
      %dma_wait3A_201 = tpu.memref_slice %arg9[%add3A_175, %dma_wait3A_200] : memref<50x128xi32, #tpu.memory_space<vmem>> -> memref<1x128xi32, #tpu.memory_space<vmem>>
      %dma_wait3A_202 = tpu.memref_squeeze %dma_wait3A_201 : memref<1x128xi32, #tpu.memory_space<vmem>> -> memref<128xi32, #tpu.memory_space<vmem>>
      %dma_wait3A_203 = arith.constant 0 : i32
      %dma_wait3A_204 = arith.constant 0 : i32
      %dma_wait3A_205 = tpu.memref_slice %arg10[%dma_wait3A_203, %dma_wait3A_204] : memref<600x128xf32, #tpu.memory_space<vmem_shared>> -> memref<600x128xf32, #tpu.memory_space<vmem_shared>>
      tpu.wait_indirect_dma semaphore(%arg23 : memref<!tpu.dma_semaphore, #tpu.memory_space<semaphore_mem>>) src(%dma_wait3A_205 : memref<600x128xf32, #tpu.memory_space<vmem_shared>>) dst(%arg15 : memref<128x128xf32, #tpu.memory_space<vmem>>)
      %mul3A_206 = arith.constant 128 : i32
      %mul3A_207 = arith.muli %add3A_175, %mul3A_206 : i32
      %add3A_208 = arith.addi %mul3A_2, %mul3A_207 : i32
      %dma_start3A_209 = arith.constant 0 : i32
      %dma_start3A_210 = tpu.memref_slice %arg7[%add3A_208, %dma_start3A_209] : memref<204800x128xf32, #tpu.memory_space<hbm>> -> memref<128x128xf32, #tpu.memory_space<hbm>>
      %dma_start3A_211 = arith.constant 0 : i32
      %dma_start3A_212 = tpu.memref_slice %arg7[%add3A_208, %dma_start3A_211] : memref<204800x128xf32, #tpu.memory_space<hbm>> -> memref<128x128xf32, #tpu.memory_space<hbm>>
      tpu.enqueue_dma source(%arg15 : memref<128x128xf32, #tpu.memory_space<vmem>>) target(%dma_start3A_212 : memref<128x128xf32, #tpu.memory_space<hbm>>) target_semaphore(%arg27 : memref<!tpu.dma_semaphore, #tpu.memory_space<semaphore_mem>>)
      %mul3A_213 = arith.constant 4 : i32
      %mul3A_214 = arith.muli %mul3A_213, %scan3A_134 : i32
      %add3A_215 = arith.constant 2 : i32
      %add3A_216 = arith.addi %mul3A_214, %add3A_215 : i32
      %dma_wait3A_217 = arith.constant 0 : i32
      %dma_wait3A_218 = tpu.memref_slice %arg8[%add3A_216, %dma_wait3A_217] : memref<50x128xi32, #tpu.memory_space<vmem>> -> memref<1x128xi32, #tpu.memory_space<vmem>>
      %dma_wait3A_219 = tpu.memref_squeeze %dma_wait3A_218 : memref<1x128xi32, #tpu.memory_space<vmem>> -> memref<128xi32, #tpu.memory_space<vmem>>
      %dma_wait3A_220 = arith.constant 0 : i32
      %dma_wait3A_221 = arith.constant 0 : i32
      %dma_wait3A_222 = tpu.memref_slice %arg4[%dma_wait3A_220, %dma_wait3A_221] : memref<100000x128xf32, #tpu.memory_space<hbm>> -> memref<100000x128xf32, #tpu.memory_space<hbm>>
      tpu.wait_indirect_dma semaphore(%arg20 : memref<!tpu.dma_semaphore, #tpu.memory_space<semaphore_mem>>) src(%dma_wait3A_222 : memref<100000x128xf32, #tpu.memory_space<hbm>>) dst(%arg16 : memref<128x128xf32, #tpu.memory_space<vmem>>)
      %dma_start3A_223 = arith.constant 0 : i32
      %dma_start3A_224 = tpu.memref_slice %arg9[%add3A_216, %dma_start3A_223] : memref<50x128xi32, #tpu.memory_space<vmem>> -> memref<1x128xi32, #tpu.memory_space<vmem>>
      %dma_start3A_225 = tpu.memref_squeeze %dma_start3A_224 : memref<1x128xi32, #tpu.memory_space<vmem>> -> memref<128xi32, #tpu.memory_space<vmem>>
      %dma_start3A_226 = arith.constant 0 : i32
      %dma_start3A_227 = arith.constant 0 : i32
      %dma_start3A_228 = tpu.memref_slice %arg10[%dma_start3A_226, %dma_start3A_227] : memref<600x128xf32, #tpu.memory_space<vmem_shared>> -> memref<600x128xf32, #tpu.memory_space<vmem_shared>>
      tpu.enqueue_indirect_dma source(%dma_start3A_228 : memref<600x128xf32, #tpu.memory_space<vmem_shared>>) target(%arg16 : memref<128x128xf32, #tpu.memory_space<vmem>>) offsets(%dma_start3A_225 : memref<128xi32, #tpu.memory_space<vmem>>) semaphore(%arg24 : memref<!tpu.dma_semaphore, #tpu.memory_space<semaphore_mem>>) {add = true}
      %ge3A_229 = arith.constant 2 : i32
      %ge3A_230 = arith.cmpi sge, %add3A_216, %ge3A_229 : i32
      %convert_element_type3A_231 = arith.extui %ge3A_230 : i1 to i32
      %cond3A_232 = arith.constant 0 : i32
      %cond3A_233 = arith.cmpi ne, %convert_element_type3A_231, %cond3A_232 : i32
      scf.if %cond3A_233 {
        %sub3A = arith.constant 2 : i32
        %sub3A_295 = arith.subi %add3A_216, %sub3A : i32
        %mul3A_296 = arith.constant 128 : i32
        %mul3A_297 = arith.muli %sub3A_295, %mul3A_296 : i32
        %add3A_298 = arith.addi %mul3A_2, %mul3A_297 : i32
        %dma_wait3A_299 = arith.constant 0 : i32
        %dma_wait3A_300 = tpu.memref_slice %arg7[%add3A_298, %dma_wait3A_299] : memref<204800x128xf32, #tpu.memory_space<hbm>> -> memref<128x128xf32, #tpu.memory_space<hbm>>
        %dma_wait3A_301 = arith.constant 0 : i32
        %dma_wait3A_302 = tpu.memref_slice %arg7[%add3A_298, %dma_wait3A_301] : memref<204800x128xf32, #tpu.memory_space<hbm>> -> memref<128x128xf32, #tpu.memory_space<hbm>>
        tpu.wait_dma2 semaphore(%arg26 : memref<!tpu.dma_semaphore, #tpu.memory_space<semaphore_mem>>) src(%arg14 : memref<128x128xf32, #tpu.memory_space<vmem>>) dst(%dma_wait3A_302 : memref<128x128xf32, #tpu.memory_space<hbm>>)
      } else {
      }
      %add3A_234 = arith.constant 2 : i32
      %add3A_235 = arith.addi %add3A_216, %add3A_234 : i32
      %lt3A_236 = arith.constant 50 : i32
      %lt3A_237 = arith.cmpi slt, %add3A_235, %lt3A_236 : i32
      %convert_element_type3A_238 = arith.extui %lt3A_237 : i1 to i32
      %cond3A_239 = arith.constant 0 : i32
      %cond3A_240 = arith.cmpi ne, %convert_element_type3A_238, %cond3A_239 : i32
      scf.if %cond3A_240 {
        %add3A_295 = arith.constant 2 : i32
        %add3A_296 = arith.addi %add3A_216, %add3A_295 : i32
        %dma_start3A_297 = arith.constant 0 : i32
        %dma_start3A_298 = tpu.memref_slice %arg8[%add3A_296, %dma_start3A_297] : memref<50x128xi32, #tpu.memory_space<vmem>> -> memref<1x128xi32, #tpu.memory_space<vmem>>
        %dma_start3A_299 = tpu.memref_squeeze %dma_start3A_298 : memref<1x128xi32, #tpu.memory_space<vmem>> -> memref<128xi32, #tpu.memory_space<vmem>>
        %dma_start3A_300 = arith.constant 0 : i32
        %dma_start3A_301 = arith.constant 0 : i32
        %dma_start3A_302 = tpu.memref_slice %arg4[%dma_start3A_300, %dma_start3A_301] : memref<100000x128xf32, #tpu.memory_space<hbm>> -> memref<100000x128xf32, #tpu.memory_space<hbm>>
        tpu.enqueue_indirect_dma source(%dma_start3A_302 : memref<100000x128xf32, #tpu.memory_space<hbm>>) target(%arg14 : memref<128x128xf32, #tpu.memory_space<vmem>>) offsets(%dma_start3A_299 : memref<128xi32, #tpu.memory_space<vmem>>) semaphore(%arg18 : memref<!tpu.dma_semaphore, #tpu.memory_space<semaphore_mem>>)
      } else {
      }
      %dma_wait3A_241 = arith.constant 0 : i32
      %dma_wait3A_242 = tpu.memref_slice %arg9[%add3A_216, %dma_wait3A_241] : memref<50x128xi32, #tpu.memory_space<vmem>> -> memref<1x128xi32, #tpu.memory_space<vmem>>
      %dma_wait3A_243 = tpu.memref_squeeze %dma_wait3A_242 : memref<1x128xi32, #tpu.memory_space<vmem>> -> memref<128xi32, #tpu.memory_space<vmem>>
      %dma_wait3A_244 = arith.constant 0 : i32
      %dma_wait3A_245 = arith.constant 0 : i32
      %dma_wait3A_246 = tpu.memref_slice %arg10[%dma_wait3A_244, %dma_wait3A_245] : memref<600x128xf32, #tpu.memory_space<vmem_shared>> -> memref<600x128xf32, #tpu.memory_space<vmem_shared>>
      tpu.wait_indirect_dma semaphore(%arg24 : memref<!tpu.dma_semaphore, #tpu.memory_space<semaphore_mem>>) src(%dma_wait3A_246 : memref<600x128xf32, #tpu.memory_space<vmem_shared>>) dst(%arg16 : memref<128x128xf32, #tpu.memory_space<vmem>>)
      %mul3A_247 = arith.constant 128 : i32
      %mul3A_248 = arith.muli %add3A_216, %mul3A_247 : i32
      %add3A_249 = arith.addi %mul3A_2, %mul3A_248 : i32
      %dma_start3A_250 = arith.constant 0 : i32
      %dma_start3A_251 = tpu.memref_slice %arg7[%add3A_249, %dma_start3A_250] : memref<204800x128xf32, #tpu.memory_space<hbm>> -> memref<128x128xf32, #tpu.memory_space<hbm>>
      %dma_start3A_252 = arith.constant 0 : i32
      %dma_start3A_253 = tpu.memref_slice %arg7[%add3A_249, %dma_start3A_252] : memref<204800x128xf32, #tpu.memory_space<hbm>> -> memref<128x128xf32, #tpu.memory_space<hbm>>
      tpu.enqueue_dma source(%arg16 : memref<128x128xf32, #tpu.memory_space<vmem>>) target(%dma_start3A_253 : memref<128x128xf32, #tpu.memory_space<hbm>>) target_semaphore(%arg28 : memref<!tpu.dma_semaphore, #tpu.memory_space<semaphore_mem>>)
      %mul3A_254 = arith.constant 4 : i32
      %mul3A_255 = arith.muli %mul3A_254, %scan3A_134 : i32
      %add3A_256 = arith.constant 3 : i32
      %add3A_257 = arith.addi %mul3A_255, %add3A_256 : i32
      %dma_wait3A_258 = arith.constant 0 : i32
      %dma_wait3A_259 = tpu.memref_slice %arg8[%add3A_257, %dma_wait3A_258] : memref<50x128xi32, #tpu.memory_space<vmem>> -> memref<1x128xi32, #tpu.memory_space<vmem>>
      %dma_wait3A_260 = tpu.memref_squeeze %dma_wait3A_259 : memref<1x128xi32, #tpu.memory_space<vmem>> -> memref<128xi32, #tpu.memory_space<vmem>>
      %dma_wait3A_261 = arith.constant 0 : i32
      %dma_wait3A_262 = arith.constant 0 : i32
      %dma_wait3A_263 = tpu.memref_slice %arg4[%dma_wait3A_261, %dma_wait3A_262] : memref<100000x128xf32, #tpu.memory_space<hbm>> -> memref<100000x128xf32, #tpu.memory_space<hbm>>
      tpu.wait_indirect_dma semaphore(%arg21 : memref<!tpu.dma_semaphore, #tpu.memory_space<semaphore_mem>>) src(%dma_wait3A_263 : memref<100000x128xf32, #tpu.memory_space<hbm>>) dst(%arg17 : memref<128x128xf32, #tpu.memory_space<vmem>>)
      %dma_start3A_264 = arith.constant 0 : i32
      %dma_start3A_265 = tpu.memref_slice %arg9[%add3A_257, %dma_start3A_264] : memref<50x128xi32, #tpu.memory_space<vmem>> -> memref<1x128xi32, #tpu.memory_space<vmem>>
      %dma_start3A_266 = tpu.memref_squeeze %dma_start3A_265 : memref<1x128xi32, #tpu.memory_space<vmem>> -> memref<128xi32, #tpu.memory_space<vmem>>
      %dma_start3A_267 = arith.constant 0 : i32
      %dma_start3A_268 = arith.constant 0 : i32
      %dma_start3A_269 = tpu.memref_slice %arg10[%dma_start3A_267, %dma_start3A_268] : memref<600x128xf32, #tpu.memory_space<vmem_shared>> -> memref<600x128xf32, #tpu.memory_space<vmem_shared>>
      tpu.enqueue_indirect_dma source(%dma_start3A_269 : memref<600x128xf32, #tpu.memory_space<vmem_shared>>) target(%arg17 : memref<128x128xf32, #tpu.memory_space<vmem>>) offsets(%dma_start3A_266 : memref<128xi32, #tpu.memory_space<vmem>>) semaphore(%arg25 : memref<!tpu.dma_semaphore, #tpu.memory_space<semaphore_mem>>) {add = true}
      %ge3A_270 = arith.constant 2 : i32
      %ge3A_271 = arith.cmpi sge, %add3A_257, %ge3A_270 : i32
      %convert_element_type3A_272 = arith.extui %ge3A_271 : i1 to i32
      %cond3A_273 = arith.constant 0 : i32
      %cond3A_274 = arith.cmpi ne, %convert_element_type3A_272, %cond3A_273 : i32
      scf.if %cond3A_274 {
        %sub3A = arith.constant 2 : i32
        %sub3A_295 = arith.subi %add3A_257, %sub3A : i32
        %mul3A_296 = arith.constant 128 : i32
        %mul3A_297 = arith.muli %sub3A_295, %mul3A_296 : i32
        %add3A_298 = arith.addi %mul3A_2, %mul3A_297 : i32
        %dma_wait3A_299 = arith.constant 0 : i32
        %dma_wait3A_300 = tpu.memref_slice %arg7[%add3A_298, %dma_wait3A_299] : memref<204800x128xf32, #tpu.memory_space<hbm>> -> memref<128x128xf32, #tpu.memory_space<hbm>>
        %dma_wait3A_301 = arith.constant 0 : i32
        %dma_wait3A_302 = tpu.memref_slice %arg7[%add3A_298, %dma_wait3A_301] : memref<204800x128xf32, #tpu.memory_space<hbm>> -> memref<128x128xf32, #tpu.memory_space<hbm>>
        tpu.wait_dma2 semaphore(%arg27 : memref<!tpu.dma_semaphore, #tpu.memory_space<semaphore_mem>>) src(%arg15 : memref<128x128xf32, #tpu.memory_space<vmem>>) dst(%dma_wait3A_302 : memref<128x128xf32, #tpu.memory_space<hbm>>)
      } else {
      }
      %add3A_275 = arith.constant 2 : i32
      %add3A_276 = arith.addi %add3A_257, %add3A_275 : i32
      %lt3A_277 = arith.constant 50 : i32
      %lt3A_278 = arith.cmpi slt, %add3A_276, %lt3A_277 : i32
      %convert_element_type3A_279 = arith.extui %lt3A_278 : i1 to i32
      %cond3A_280 = arith.constant 0 : i32
      %cond3A_281 = arith.cmpi ne, %convert_element_type3A_279, %cond3A_280 : i32
      scf.if %cond3A_281 {
        %add3A_295 = arith.constant 2 : i32
        %add3A_296 = arith.addi %add3A_257, %add3A_295 : i32
        %dma_start3A_297 = arith.constant 0 : i32
        %dma_start3A_298 = tpu.memref_slice %arg8[%add3A_296, %dma_start3A_297] : memref<50x128xi32, #tpu.memory_space<vmem>> -> memref<1x128xi32, #tpu.memory_space<vmem>>
        %dma_start3A_299 = tpu.memref_squeeze %dma_start3A_298 : memref<1x128xi32, #tpu.memory_space<vmem>> -> memref<128xi32, #tpu.memory_space<vmem>>
        %dma_start3A_300 = arith.constant 0 : i32
        %dma_start3A_301 = arith.constant 0 : i32
        %dma_start3A_302 = tpu.memref_slice %arg4[%dma_start3A_300, %dma_start3A_301] : memref<100000x128xf32, #tpu.memory_space<hbm>> -> memref<100000x128xf32, #tpu.memory_space<hbm>>
        tpu.enqueue_indirect_dma source(%dma_start3A_302 : memref<100000x128xf32, #tpu.memory_space<hbm>>) target(%arg15 : memref<128x128xf32, #tpu.memory_space<vmem>>) offsets(%dma_start3A_299 : memref<128xi32, #tpu.memory_space<vmem>>) semaphore(%arg19 : memref<!tpu.dma_semaphore, #tpu.memory_space<semaphore_mem>>)
      } else {
      }
      %dma_wait3A_282 = arith.constant 0 : i32
      %dma_wait3A_283 = tpu.memref_slice %arg9[%add3A_257, %dma_wait3A_282] : memref<50x128xi32, #tpu.memory_space<vmem>> -> memref<1x128xi32, #tpu.memory_space<vmem>>
      %dma_wait3A_284 = tpu.memref_squeeze %dma_wait3A_283 : memref<1x128xi32, #tpu.memory_space<vmem>> -> memref<128xi32, #tpu.memory_space<vmem>>
      %dma_wait3A_285 = arith.constant 0 : i32
      %dma_wait3A_286 = arith.constant 0 : i32
      %dma_wait3A_287 = tpu.memref_slice %arg10[%dma_wait3A_285, %dma_wait3A_286] : memref<600x128xf32, #tpu.memory_space<vmem_shared>> -> memref<600x128xf32, #tpu.memory_space<vmem_shared>>
      tpu.wait_indirect_dma semaphore(%arg25 : memref<!tpu.dma_semaphore, #tpu.memory_space<semaphore_mem>>) src(%dma_wait3A_287 : memref<600x128xf32, #tpu.memory_space<vmem_shared>>) dst(%arg17 : memref<128x128xf32, #tpu.memory_space<vmem>>)
      %mul3A_288 = arith.constant 128 : i32
      %mul3A_289 = arith.muli %add3A_257, %mul3A_288 : i32
      %add3A_290 = arith.addi %mul3A_2, %mul3A_289 : i32
      %dma_start3A_291 = arith.constant 0 : i32
      %dma_start3A_292 = tpu.memref_slice %arg7[%add3A_290, %dma_start3A_291] : memref<204800x128xf32, #tpu.memory_space<hbm>> -> memref<128x128xf32, #tpu.memory_space<hbm>>
      %dma_start3A_293 = arith.constant 0 : i32
      %dma_start3A_294 = tpu.memref_slice %arg7[%add3A_290, %dma_start3A_293] : memref<204800x128xf32, #tpu.memory_space<hbm>> -> memref<128x128xf32, #tpu.memory_space<hbm>>
      tpu.enqueue_dma source(%arg17 : memref<128x128xf32, #tpu.memory_space<vmem>>) target(%dma_start3A_294 : memref<128x128xf32, #tpu.memory_space<hbm>>) target_semaphore(%arg29 : memref<!tpu.dma_semaphore, #tpu.memory_space<semaphore_mem>>)
    }
    %scan3A_56 = arith.constant 12 : i32
    %dma_wait3A = arith.constant 48 : i32
    %dma_wait3A_57 = arith.constant 0 : i32
    %dma_wait3A_58 = tpu.memref_slice %arg8[%dma_wait3A, %dma_wait3A_57] : memref<50x128xi32, #tpu.memory_space<vmem>> -> memref<1x128xi32, #tpu.memory_space<vmem>>
    %dma_wait3A_59 = tpu.memref_squeeze %dma_wait3A_58 : memref<1x128xi32, #tpu.memory_space<vmem>> -> memref<128xi32, #tpu.memory_space<vmem>>
    %dma_wait3A_60 = arith.constant 0 : i32
    %dma_wait3A_61 = arith.constant 0 : i32
    %dma_wait3A_62 = tpu.memref_slice %arg4[%dma_wait3A_60, %dma_wait3A_61] : memref<100000x128xf32, #tpu.memory_space<hbm>> -> memref<100000x128xf32, #tpu.memory_space<hbm>>
    tpu.wait_indirect_dma semaphore(%arg18 : memref<!tpu.dma_semaphore, #tpu.memory_space<semaphore_mem>>) src(%dma_wait3A_62 : memref<100000x128xf32, #tpu.memory_space<hbm>>) dst(%arg14 : memref<128x128xf32, #tpu.memory_space<vmem>>)
    %dma_start3A_63 = arith.constant 48 : i32
    %dma_start3A_64 = arith.constant 0 : i32
    %dma_start3A_65 = tpu.memref_slice %arg9[%dma_start3A_63, %dma_start3A_64] : memref<50x128xi32, #tpu.memory_space<vmem>> -> memref<1x128xi32, #tpu.memory_space<vmem>>
    %dma_start3A_66 = tpu.memref_squeeze %dma_start3A_65 : memref<1x128xi32, #tpu.memory_space<vmem>> -> memref<128xi32, #tpu.memory_space<vmem>>
    %dma_start3A_67 = arith.constant 0 : i32
    %dma_start3A_68 = arith.constant 0 : i32
    %dma_start3A_69 = tpu.memref_slice %arg10[%dma_start3A_67, %dma_start3A_68] : memref<600x128xf32, #tpu.memory_space<vmem_shared>> -> memref<600x128xf32, #tpu.memory_space<vmem_shared>>
    tpu.enqueue_indirect_dma source(%dma_start3A_69 : memref<600x128xf32, #tpu.memory_space<vmem_shared>>) target(%arg14 : memref<128x128xf32, #tpu.memory_space<vmem>>) offsets(%dma_start3A_66 : memref<128xi32, #tpu.memory_space<vmem>>) semaphore(%arg22 : memref<!tpu.dma_semaphore, #tpu.memory_space<semaphore_mem>>) {add = true}
    %add3A_70 = arith.constant 5888 : i32
    %add3A_71 = arith.addi %mul3A_2, %add3A_70 : i32
    %dma_wait3A_72 = arith.constant 0 : i32
    %dma_wait3A_73 = tpu.memref_slice %arg7[%add3A_71, %dma_wait3A_72] : memref<204800x128xf32, #tpu.memory_space<hbm>> -> memref<128x128xf32, #tpu.memory_space<hbm>>
    %dma_wait3A_74 = arith.constant 0 : i32
    %dma_wait3A_75 = tpu.memref_slice %arg7[%add3A_71, %dma_wait3A_74] : memref<204800x128xf32, #tpu.memory_space<hbm>> -> memref<128x128xf32, #tpu.memory_space<hbm>>
    tpu.wait_dma2 semaphore(%arg28 : memref<!tpu.dma_semaphore, #tpu.memory_space<semaphore_mem>>) src(%arg16 : memref<128x128xf32, #tpu.memory_space<vmem>>) dst(%dma_wait3A_75 : memref<128x128xf32, #tpu.memory_space<hbm>>)
    %dma_wait3A_76 = arith.constant 48 : i32
    %dma_wait3A_77 = arith.constant 0 : i32
    %dma_wait3A_78 = tpu.memref_slice %arg9[%dma_wait3A_76, %dma_wait3A_77] : memref<50x128xi32, #tpu.memory_space<vmem>> -> memref<1x128xi32, #tpu.memory_space<vmem>>
    %dma_wait3A_79 = tpu.memref_squeeze %dma_wait3A_78 : memref<1x128xi32, #tpu.memory_space<vmem>> -> memref<128xi32, #tpu.memory_space<vmem>>
    %dma_wait3A_80 = arith.constant 0 : i32
    %dma_wait3A_81 = arith.constant 0 : i32
    %dma_wait3A_82 = tpu.memref_slice %arg10[%dma_wait3A_80, %dma_wait3A_81] : memref<600x128xf32, #tpu.memory_space<vmem_shared>> -> memref<600x128xf32, #tpu.memory_space<vmem_shared>>
    tpu.wait_indirect_dma semaphore(%arg22 : memref<!tpu.dma_semaphore, #tpu.memory_space<semaphore_mem>>) src(%dma_wait3A_82 : memref<600x128xf32, #tpu.memory_space<vmem_shared>>) dst(%arg14 : memref<128x128xf32, #tpu.memory_space<vmem>>)
    %add3A_83 = arith.constant 6144 : i32
    %add3A_84 = arith.addi %mul3A_2, %add3A_83 : i32
    %dma_start3A_85 = arith.constant 0 : i32
    %dma_start3A_86 = tpu.memref_slice %arg7[%add3A_84, %dma_start3A_85] : memref<204800x128xf32, #tpu.memory_space<hbm>> -> memref<128x128xf32, #tpu.memory_space<hbm>>
    %dma_start3A_87 = arith.constant 0 : i32
    %dma_start3A_88 = tpu.memref_slice %arg7[%add3A_84, %dma_start3A_87] : memref<204800x128xf32, #tpu.memory_space<hbm>> -> memref<128x128xf32, #tpu.memory_space<hbm>>
    tpu.enqueue_dma source(%arg14 : memref<128x128xf32, #tpu.memory_space<vmem>>) target(%dma_start3A_88 : memref<128x128xf32, #tpu.memory_space<hbm>>) target_semaphore(%arg26 : memref<!tpu.dma_semaphore, #tpu.memory_space<semaphore_mem>>)
    %dma_wait3A_89 = arith.constant 49 : i32
    %dma_wait3A_90 = arith.constant 0 : i32
    %dma_wait3A_91 = tpu.memref_slice %arg8[%dma_wait3A_89, %dma_wait3A_90] : memref<50x128xi32, #tpu.memory_space<vmem>> -> memref<1x128xi32, #tpu.memory_space<vmem>>
    %dma_wait3A_92 = tpu.memref_squeeze %dma_wait3A_91 : memref<1x128xi32, #tpu.memory_space<vmem>> -> memref<128xi32, #tpu.memory_space<vmem>>
    %dma_wait3A_93 = arith.constant 0 : i32
    %dma_wait3A_94 = arith.constant 0 : i32
    %dma_wait3A_95 = tpu.memref_slice %arg4[%dma_wait3A_93, %dma_wait3A_94] : memref<100000x128xf32, #tpu.memory_space<hbm>> -> memref<100000x128xf32, #tpu.memory_space<hbm>>
    tpu.wait_indirect_dma semaphore(%arg19 : memref<!tpu.dma_semaphore, #tpu.memory_space<semaphore_mem>>) src(%dma_wait3A_95 : memref<100000x128xf32, #tpu.memory_space<hbm>>) dst(%arg15 : memref<128x128xf32, #tpu.memory_space<vmem>>)
    %dma_start3A_96 = arith.constant 49 : i32
    %dma_start3A_97 = arith.constant 0 : i32
    %dma_start3A_98 = tpu.memref_slice %arg9[%dma_start3A_96, %dma_start3A_97] : memref<50x128xi32, #tpu.memory_space<vmem>> -> memref<1x128xi32, #tpu.memory_space<vmem>>
    %dma_start3A_99 = tpu.memref_squeeze %dma_start3A_98 : memref<1x128xi32, #tpu.memory_space<vmem>> -> memref<128xi32, #tpu.memory_space<vmem>>
    %dma_start3A_100 = arith.constant 0 : i32
    %dma_start3A_101 = arith.constant 0 : i32
    %dma_start3A_102 = tpu.memref_slice %arg10[%dma_start3A_100, %dma_start3A_101] : memref<600x128xf32, #tpu.memory_space<vmem_shared>> -> memref<600x128xf32, #tpu.memory_space<vmem_shared>>
    tpu.enqueue_indirect_dma source(%dma_start3A_102 : memref<600x128xf32, #tpu.memory_space<vmem_shared>>) target(%arg15 : memref<128x128xf32, #tpu.memory_space<vmem>>) offsets(%dma_start3A_99 : memref<128xi32, #tpu.memory_space<vmem>>) semaphore(%arg23 : memref<!tpu.dma_semaphore, #tpu.memory_space<semaphore_mem>>) {add = true}
    %add3A_103 = arith.constant 6016 : i32
    %add3A_104 = arith.addi %mul3A_2, %add3A_103 : i32
    %dma_wait3A_105 = arith.constant 0 : i32
    %dma_wait3A_106 = tpu.memref_slice %arg7[%add3A_104, %dma_wait3A_105] : memref<204800x128xf32, #tpu.memory_space<hbm>> -> memref<128x128xf32, #tpu.memory_space<hbm>>
    %dma_wait3A_107 = arith.constant 0 : i32
    %dma_wait3A_108 = tpu.memref_slice %arg7[%add3A_104, %dma_wait3A_107] : memref<204800x128xf32, #tpu.memory_space<hbm>> -> memref<128x128xf32, #tpu.memory_space<hbm>>
    tpu.wait_dma2 semaphore(%arg29 : memref<!tpu.dma_semaphore, #tpu.memory_space<semaphore_mem>>) src(%arg17 : memref<128x128xf32, #tpu.memory_space<vmem>>) dst(%dma_wait3A_108 : memref<128x128xf32, #tpu.memory_space<hbm>>)
    %dma_wait3A_109 = arith.constant 49 : i32
    %dma_wait3A_110 = arith.constant 0 : i32
    %dma_wait3A_111 = tpu.memref_slice %arg9[%dma_wait3A_109, %dma_wait3A_110] : memref<50x128xi32, #tpu.memory_space<vmem>> -> memref<1x128xi32, #tpu.memory_space<vmem>>
    %dma_wait3A_112 = tpu.memref_squeeze %dma_wait3A_111 : memref<1x128xi32, #tpu.memory_space<vmem>> -> memref<128xi32, #tpu.memory_space<vmem>>
    %dma_wait3A_113 = arith.constant 0 : i32
    %dma_wait3A_114 = arith.constant 0 : i32
    %dma_wait3A_115 = tpu.memref_slice %arg10[%dma_wait3A_113, %dma_wait3A_114] : memref<600x128xf32, #tpu.memory_space<vmem_shared>> -> memref<600x128xf32, #tpu.memory_space<vmem_shared>>
    tpu.wait_indirect_dma semaphore(%arg23 : memref<!tpu.dma_semaphore, #tpu.memory_space<semaphore_mem>>) src(%dma_wait3A_115 : memref<600x128xf32, #tpu.memory_space<vmem_shared>>) dst(%arg15 : memref<128x128xf32, #tpu.memory_space<vmem>>)
    %add3A_116 = arith.constant 6272 : i32
    %add3A_117 = arith.addi %mul3A_2, %add3A_116 : i32
    %dma_start3A_118 = arith.constant 0 : i32
    %dma_start3A_119 = tpu.memref_slice %arg7[%add3A_117, %dma_start3A_118] : memref<204800x128xf32, #tpu.memory_space<hbm>> -> memref<128x128xf32, #tpu.memory_space<hbm>>
    %dma_start3A_120 = arith.constant 0 : i32
    %dma_start3A_121 = tpu.memref_slice %arg7[%add3A_117, %dma_start3A_120] : memref<204800x128xf32, #tpu.memory_space<hbm>> -> memref<128x128xf32, #tpu.memory_space<hbm>>
    tpu.enqueue_dma source(%arg15 : memref<128x128xf32, #tpu.memory_space<vmem>>) target(%dma_start3A_121 : memref<128x128xf32, #tpu.memory_space<hbm>>) target_semaphore(%arg27 : memref<!tpu.dma_semaphore, #tpu.memory_space<semaphore_mem>>)
    %add3A_122 = arith.constant 6144 : i32
    %add3A_123 = arith.addi %mul3A_2, %add3A_122 : i32
    %dma_wait3A_124 = arith.constant 0 : i32
    %dma_wait3A_125 = tpu.memref_slice %arg7[%add3A_123, %dma_wait3A_124] : memref<204800x128xf32, #tpu.memory_space<hbm>> -> memref<128x128xf32, #tpu.memory_space<hbm>>
    %dma_wait3A_126 = arith.constant 0 : i32
    %dma_wait3A_127 = tpu.memref_slice %arg7[%add3A_123, %dma_wait3A_126] : memref<204800x128xf32, #tpu.memory_space<hbm>> -> memref<128x128xf32, #tpu.memory_space<hbm>>
    tpu.wait_dma2 semaphore(%arg26 : memref<!tpu.dma_semaphore, #tpu.memory_space<semaphore_mem>>) src(%arg14 : memref<128x128xf32, #tpu.memory_space<vmem>>) dst(%dma_wait3A_127 : memref<128x128xf32, #tpu.memory_space<hbm>>)
    %add3A_128 = arith.constant 6272 : i32
    %add3A_129 = arith.addi %mul3A_2, %add3A_128 : i32
    %dma_wait3A_130 = arith.constant 0 : i32
    %dma_wait3A_131 = tpu.memref_slice %arg7[%add3A_129, %dma_wait3A_130] : memref<204800x128xf32, #tpu.memory_space<hbm>> -> memref<128x128xf32, #tpu.memory_space<hbm>>
    %dma_wait3A_132 = arith.constant 0 : i32
    %dma_wait3A_133 = tpu.memref_slice %arg7[%add3A_129, %dma_wait3A_132] : memref<204800x128xf32, #tpu.memory_space<hbm>> -> memref<128x128xf32, #tpu.memory_space<hbm>>
    tpu.wait_dma2 semaphore(%arg27 : memref<!tpu.dma_semaphore, #tpu.memory_space<semaphore_mem>>) src(%arg15 : memref<128x128xf32, #tpu.memory_space<vmem>>) dst(%dma_wait3A_133 : memref<128x128xf32, #tpu.memory_space<hbm>>)
    return
  }
}

</mosaic_0001>

<sc_bundles>
// kernel: kernel.3.cloned.1.call-start
scs
__scs_entry_jumppad:
0x0: {  	(pc) =	sbr.rel $0x88, $3  }
0x1: {  	(tag) =	ssettag $0x0;
	lr =	simm.s32 $0x1  }
0x2: {  	[smem:$0x3F9C] =	sst lr;
	_ =	strace $0xD0000000  }
0x3: {  	_ = 	snop  }
0x4: {  	_ = 	snop  }
0x5: {  	_ = 	snop  }
0x6: {  	_ = 	snop  }
0x7: {  	_ = 	snop  }
__scs_overlays_trampoline_lowered:
0x8: {  	[smem:$0x3FAB] =	sst s0  }
0x9: {  	[smem:$0x3FAC] =	sst s1  }
0xa: {  	[smem:$0x3FAD] =	sst s2  }
0xb: {  	[smem:$0x3FAE] =	sst s3  }
0xc: {  	[smem:$0x3FAF] =	sst s4  }
0xd: {  	[smem:$0x3FB0] =	sst s5  }
0xe: {  	[smem:$0x3FB1] =	sst s6  }
0xf: {  	[smem:$0x3FB2] =	sst s7  }
0x10: {  	[smem:$0x3FB3] =	sst s8  }
0x11: {  	[smem:$0x3FB4] =	sst s9;
	s0 =	simm.s32 @!p0 $0x0  }
0x12: {  	s1 =	sld [smem:$0x3F9A];
	s0 =	simm.s32 @p0 $0x1  }
0x13: {  	[smem:$0x3FB5] =	sst s0;
	s0 =	simm.s32 @!p1 $0x0  }
0x14: {  	s2 =	sld [smem:$0x3F99];
	s0 =	simm.s32 @p1 $0x1  }
0x15: {  	[smem:$0x3FB6] =	sst s0;
	s0 =	simm.s32 @!p2 $0x0  }
0x16: {  	s3 =	sld [smem:$0x3FDB];
	s0 =	simm.s32 @p2 $0x1  }
0x17: {  	s4 =	simm.s32 $0x1BF5;
	[smem:$0x3FB8] =	sst s0  }
0x18: {  	s0 =	sld [smem:$0x3F9B];
	_ =	swait.ge [sflag:s4], $0x0  }
0x19: {  	s7 =	sld [smem:$0x3F9C]  }
0x1a: {  	s8 =	sadd.s32 $0xFFFFE003, lr  }
0x1b: {  	s9 =	sadd.s32 $0xFFFFFEF7, lr;
	s5 =	simm.s32 $0xFFFFFFFF;
	p2 =	slt.u32 s8, $0xFFFFF086  }
0x1c: {  	p1 =	slt.u32 s9, $0xF7A;
	s5 =	simm.s32 @!p2 $0x0  }
0x1d: {  	s5 =	simm.s32 @p1 $0x1;
	p0 =	seq.s32 s7, s2  }
0x1e: {  	s7 =	smul.u32 @!p0 $0xF7A, s2;
	p2 =	seq.s32 @!p0 s5, $0x0  }
0x1f: {  	s9 =	smul.u32 $0xF7A, s1;
	s8 =	simm.s32 @!p0 $0x1BF5;
	p2 =	por !p2, p0  }
0x20: {  	[sflag:s8] =	ssyncset.s32 @!p0 $0xFFFFF086;
	s6 =	sadd.s32 @!p0 s3, s7;
	s7 =	simm.s32 @!p0 $0x108  }
0x21: {  	s3 =	sadd.s32 s3, s9;
	s6 =	sadd.s32 @!p0 $0x88, s6;
	s7 =	simm.s32 @p2 $0x1082  }
0x22: {  	[simem:s7], [sflag:s8] =	dma.local @!p0 [hbm:s6], $0xF7A  }
0x23: {  	s9 =	sor.u32 $0xD0000000, s2;
	s6 =	simm.s32 $0x108;
	_ =	swait.ge @!p0 [sflag:s8], $0x0  }
0x24: {  	s3 =	sadd.s32 $0x88, s3;
	s6 =	simm.s32 @!p1 $0x1082;
	[sflag:s4] =	ssyncset.s32 $0xFFFFF086  }
0x25: {  	[simem:s6], [sflag:s4] =	dma.local [hbm:s3], $0xF7A  }
0x26: {  	[smem:$0x3F9C] =	sst s1;
	(tag) =	ssettag s2;
	_ =	strace s9  }
0x27: {  	s1 =	sld [smem:$0x3FAC]  }
0x28: {  	s2 =	sld [smem:$0x3FAD]  }
0x29: {  	s4 =	sld [smem:$0x3FAF]  }
0x2a: {  	p0 =	seq.s32 s5, $0x0;
	s5 =	sld [smem:$0x3FB0]  }
0x2b: {  	s6 =	sld [smem:$0x3FB1]  }
0x2c: {  	s7 =	sld [smem:$0x3FB2]  }
0x2d: {  	s3 =	simm.s32 $0x108;
	s8 =	sld [smem:$0x3FB3]  }
0x2e: {  	s3 =	simm.s32 @!p0 $0x1082;
	s9 =	sld [smem:$0x3FB4]  }
0x2f: {  	lr =	sadd.s32 s0, s3;
	s0 =	sld [smem:$0x3FAB]  }
0x30: {  	s3 =	sld [smem:$0x3FAE]  }
0x31: {  	[smem:$0x3FB7] =	sst s10  }
0x32: {  	s10 =	sld [smem:$0x3FB5];
	_ =	sdelay $0x3  }
0x33: {  	p0 =	seq.s32 s10, $0x1;
	s10 =	sld [smem:$0x3FB7];
	_ =	sdelay $0x3  }
0x34: {  	[smem:$0x3FB7] =	sst s10  }
0x35: {  	s10 =	sld [smem:$0x3FB6];
	_ =	sdelay $0x3  }
0x36: {  	p1 =	seq.s32 s10, $0x1;
	s10 =	sld [smem:$0x3FB7];
	_ =	sdelay $0x3  }
0x37: {  	[smem:$0x3FB7] =	sst s10  }
0x38: {  	s10 =	sld [smem:$0x3FB8]  }
0x39: {  	_ = 	snop;
	(pc) =	sbr.ind lr, $3  }
0x3a: {  	_ = 	snop  }
0x3b: {  	_ = 	snop  }
0x3c: {  	p2 =	seq.s32 s10, $0x1;
	s10 =	sld [smem:$0x3FB7]  }
0x3d: {  	_ =	shalt  }
0x3e: {  	_ =	shalt  }
0x3f: {  	_ =	shalt  }
0x40: {  	_ =	shalt  }
0x41: {  	_ =	shalt  }
0x42: {  	_ =	shalt  }
0x43: {  	_ =	shalt  }
0x44: {  	_ =	shalt  }
0x45: {  	_ =	shalt  }
0x46: {  	_ =	shalt  }
0x47: {  	_ =	shalt  }
0x48: {  	_ =	shalt  }
0x49: {  	_ =	shalt  }
0x4a: {  	_ =	shalt  }
0x4b: {  	_ =	shalt  }
0x4c: {  	_ =	shalt  }
0x4d: {  	_ =	shalt  }
0x4e: {  	_ =	shalt  }
0x4f: {  	_ =	shalt  }
0x50: {  	_ =	shalt  }
0x51: {  	_ =	shalt  }
0x52: {  	_ =	shalt  }
0x53: {  	_ =	shalt  }
0x54: {  	_ =	shalt  }
0x55: {  	_ =	shalt  }
0x56: {  	_ =	shalt  }
0x57: {  	_ =	shalt  }
0x58: {  	_ =	shalt  }
0x59: {  	_ =	shalt  }
0x5a: {  	_ =	shalt  }
0x5b: {  	_ =	shalt  }
0x5c: {  	_ =	shalt  }
0x5d: {  	_ =	shalt  }
0x5e: {  	_ =	shalt  }
0x5f: {  	_ =	shalt  }
0x60: {  	_ =	shalt  }
0x61: {  	_ =	shalt  }
0x62: {  	_ =	shalt  }
0x63: {  	_ =	shalt  }
0x64: {  	_ =	shalt  }
0x65: {  	_ =	shalt  }
0x66: {  	_ =	shalt  }
0x67: {  	_ =	shalt  }
0x68: {  	_ =	shalt  }
0x69: {  	_ =	shalt  }
0x6a: {  	_ =	shalt  }
0x6b: {  	_ =	shalt  }
0x6c: {  	_ =	shalt  }
0x6d: {  	_ =	shalt  }
0x6e: {  	_ =	shalt  }
0x6f: {  	_ =	shalt  }
0x70: {  	_ =	shalt  }
0x71: {  	_ =	shalt  }
0x72: {  	_ =	shalt  }
0x73: {  	_ =	shalt  }
0x74: {  	_ =	shalt  }
0x75: {  	_ =	shalt  }
0x76: {  	_ =	shalt  }
0x77: {  	_ =	shalt  }
0x78: {  	_ =	shalt  }
0x79: {  	_ =	shalt  }
0x7a: {  	_ =	shalt  }
0x7b: {  	_ =	shalt  }
0x7c: {  	_ =	shalt  }
0x7d: {  	_ =	shalt  }
0x7e: {  	_ =	shalt  }
0x7f: {  	_ =	shalt  }
0x80: {  	_ =	shalt  }
0x81: {  	_ =	shalt  }
0x82: {  	_ =	shalt  }
0x83: {  	_ =	shalt  }
0x84: {  	_ =	shalt  }
0x85: {  	_ =	shalt  }
0x86: {  	_ =	shalt  }
0x87: {  	_ =	shalt  }
.Lfunc_end0:
.L_simem_size_0:
called_computation_lowered:
.L_overlay_start_0:
0x88: {  	s2 =	sld [smem:$0x3FD9]  }
0x89: {  	s3 =	sld [smem:$0x3FFE];
	_ =	sdelay $0x1  }
0x8a: {  	s1 =	srdreg.scid  }
0x8b: {  	s0 =	sand.u32 $0x1, s1  }
0x8c: {  	s17 =	sshll.u32 s0, $0xA;
	s2 =	sadd.s32 s3, s2  }
0x8d: {  	s2 =	sadd.s32 s2, s17  }
0x8e: {  	[smem:$0x3FC3] =	sst s2  }
0x8f: {  	_ = 	snop  }
0x90: {  	s2 =	sld [smem:$0x3FC7]  }
0x91: {  	s18 =	sld [smem:$0x3FC6]  }
0x92: {  	s4 =	sld [smem:$0x3FD0];
	(tm) =	ssettm $0x1  }
0x93: {  	s5 =	sld [smem:$0x3FFB];
	_ =	sdelay $0x3  }
0x94: {  	_ =	strace s5  }
0x95: {  	s5 =	sld [smem:$0x3FFC];
	_ =	sdelay $0x3  }
0x96: {  	_ =	strace s5  }
0x97: {  	s5 =	sld [smem:$0x3FFD];
	_ =	sdelay $0x3  }
0x98: {  	_ =	strace s5  }
0x99: {  	_ =	strace $0x8FFFFFFF  }
0x9a: {  	s19 =	sld [smem:$0x3FDB];
	_ =	sdelay $0x1  }
0x9b: {  	s6 =	simm.s32 $_scs_section_size  }
0x9c: {  	s7 =	simm.s32 $_size__tile_overlayer_lowered;
	s8 =	simm.s32 $_tile_overlayer_lowered  }
0x9d: {  	s22 =	simm.s32 $0x1BFF;
	s21 =	sshll.u32 s8, $0x1;
	s5 =	sadd.s32 s6, s19  }
0x9e: {  	s9 =	simm.s32 $0x0;
	s20 =	sshll.u32 s7, $0x1;
	s7 =	sadd.s32 s21, s5  }
0x9f: {  	[timem:s9], [sflag:s22] =	dma.local [hbm:s7], s20  }
0xa0: {  	_ =	swait.ge [sflag:s22], s20  }
0xa1: {  	s6 =	ssub.s32 $0x0, s20;
	[sflag:s22] =	ssyncset.done $0x0  }
0xa2: {  	[sflag:s22] =	ssyncadd.s32 s6;
	_ =	sdelay $0x1  }
0xa3: {  	s23 =	simm.s32 $0x1B8B  }
0xa4: {  	_ =	swait.ge [sflag:s23], $0x1  }
0xa5: {  	[sflag:s23] =	ssyncset.done $0x0  }
0xa6: {  	s25 =	simm.s32 $0x1B8E;
	s24 =	sld [smem:$0x3FFE];
	[sflag:s23] =	ssyncadd.s32 $0xFFFFFFFF  }
0xa7: {  	s26 =	simm.s32 $execute0_lowered;
	[smem:$0x3FD2] =	sst s25  }
0xa8: {  	s7 =	sshll.u32 s26, $0x1;
	_ =	strace $0x80000046;
	[dreg:$0x1] =	wrdreg $0xFFFFFFFF  }
0xa9: {  	s28 =	simm.s32 $_size_execute0_lowered;
	s5 =	sadd.s32 s5, s7;
	[dreg:$0x0] =	wrdreg $0x0  }
0xaa: {  	s7 =	sshll.u32 s28, $0x1;
	[dreg:$0x2] =	wrdreg s5  }
0xab: {  	[dreg:$0x3] =	wrdreg s7  }
0xac: {  	[dreg:$0x4] =	wrdreg $0xC0  }
0xad: {  	_ =	task [dreg:s9], $0x5FFFF  }
0xae: {  	[dreg:$0x1] =	wrdreg $0xFFFFFFFF  }
0xaf: {  	[dreg:$0x0] =	wrdreg $0x60  }
0xb0: {  	[dreg:$0x2] =	wrdreg s24  }
0xb1: {  	[dreg:$0x3] =	wrdreg s2  }
0xb2: {  	[dreg:$0x4] =	wrdreg s18  }
0xb3: {  	[dreg:$0x5] =	wrdreg s4  }
0xb4: {  	[dreg:$0x6] =	wrdreg $0x38000  }
0xb5: {  	[dreg:$0x7] =	wrdreg $0x9  }
0xb6: {  	_ =	task.clear_ibuf [dreg:s9], $0x8FFFF;
	_ =	strace $0x90000046  }
0xb7: {  	s29 =	simm.s32 $0x9;
	_ =	strace $0x80000048  }
0xb8: {  	_ =	swait.ge [sflag:s29], $0x1  }
0xb9: {  	[sflag:s29] =	ssyncadd.s32 $0xFFFFFFFF  }
0xba: {  	_ =	strace $0x90000048  }
0xbb: {  	_ =	sfence  }
0xbc: {  	s30 =	sld [smem:$0x0];
	_ =	sdelay $0x2  }
0xbd: {  	s31 =	sshll.u32 s1, $0xD;
	s1 =	sshrl.u32 s1, $0x2  }
0xbe: {  	s3 =	sand.u32 $0x4000, s31;
	s1 =	sadd.s32 s1, s30  }
0xbf: {  	s0 =	sor.u32 s3, s0;
	s1 =	sshll.u32 s1, $0x11  }
0xc0: {  	s0 =	sor.u32 s1, s0  }
0xc1: {  	s0 =	sadd.s32 $0x8F2B, s0  }
0xc2: {  	[sflag:s0] =	ssyncadd.remote.s32 $0x1  }
0xc3: {  	_ =	sfence.sel $0xFFFF  }
0xc4: {  	[dreg:$0x0] =	wrdreg $0xFFFFFFFF;
	(pc) =	sbr.abs _section_cstart, $3  }
0xc5: {  	[dreg:$0x1] =	wrdreg $0xFFFFFFFF  }
0xc6: {  	_ =	task.clear_ibuf [dreg:s9], $0x2FFFF;
	_ =	strace $0x9FFFFFFF  }
0xc7: {  	(tm) =	ssettm $0x7FFFFFFF  }
tec
execute0_lowered:
.L_overlay_start_1:
0x0: {  	(tag) =	ssettag $0x1  }
0x1: {  	s0 =	rddreg [dreg:$0x0]  }
0x2: {  	s1 =	rddreg [dreg:$0x1]  }
0x3: {  	s2 =	srdreg.scid;
	s17 =	rddreg [dreg:$0x3]  }
0x4: {  	s4 =	stileid.u32;
	s5 =	rddreg [dreg:$0x4]  }
0x5: {  	s6 =	simm.s32 $0x0;
	s13 =	simm.s32 $0xD;
	s15 =	smul.u32 $0x3200, s4  }
0x6: {  	s29 =	simm.s32 $0x1;
	s30 =	simm.s32 $0x2;
	s20 =	smul.u32 $0x190000, s4  }
0x7: {  	s31 =	simm.s32 $0xDCC0;
	s2 =	sand.u32 $0x1, s2;
	s22 =	smul.u32 $0x32000, s4  }
0x8: {  	s28 =	simm.s32 $0x7;
	s3 =	sshll.u32 s4, $0x1;
	s18 =	smul.u32 $0x1900, s2  }
0x9: {  	[smem:$0x7FF] =	sst s6;
	s8 =	sshll.u32 s4, $0x4;
	s21 =	smul.u32 $0xC8000, s2  }
0xa: {  	s3 =	sor.u32 s2, s3;
	s11 =	ssub.s32 $0x2, s2;
	s2 =	smul.u32 $0x19000, s2  }
0xb: {  	_ =	strace $0x80000047;
	s8 =	smin.u32 s8, $0xB8;
	s7 =	smul.u32 $0x380, s3  }
0xc: {  	s10 =	sshll.u32 s8, $0x4;
	s14 =	sshrl.u32 s11, $0x1;
	s8 =	sshll.u32 s8, $0x7  }
0xd: {  	s25 =	sadd.s32 s22, s17;
	s22 =	simm.s32 $0x5CC0;
	s16 =	sadd.s32 s8, s5  }
0xe: {  	s18 =	sadd.s32 s18, s15;
	s2 =	sadd.s32 s2, s25;
	s25 =	simm.s32 $0x9  }
0xf: {  	s8 =	simm.s32 $0x4;
	s9 =	sadd.s32 s7, s0;
	s7 =	smul.u32 $0x1900, s3  }
0x10: {  	s0 =	sadd.s32 s10, s0;
	s3 =	smul.u32 $0xC8000, s3;
	[dreg:$0x7] =	wrdreg s16  }
0x11: {  	s10 =	ssub.s32 s11, s14;
	s19 =	sadd.s32 $0x6400, s16;
	[dreg:$0xf] =	wrdreg s18  }
0x12: {  	s26 =	sadd.s32 $0x800, s2;
	s14 =	simm.s32 $0x54C0;
	[dreg:$0x9] =	wrdreg s19  }
0x13: {  	s2 =	simm.s32 $0x11CC0;
	s12 =	sadd.s32 $0x1200, s9;
	[dreg:$0x11] =	wrdreg s26  }
0x14: {  	s11 =	simm.s32 $0x8;
	s0 =	sadd.s32 $0x400, s0;
	[dreg:$0x6] =	wrdreg s12  }
0x15: {  	s9 =	sadd.s32 $0x8200, s9;
	s24 =	smax.u32 s10, $0x1;
	[dreg:$0x8] =	wrdreg s0  }
0x16: {  	s10 =	simm.s32 $0xA;
	s3 =	sshrl.u32 s3, $0x3;
	[dreg:$0xb] =	wrdreg s9  }
0x17: {  	s12 =	sadd.s32 $0xC800, s16;
	[dreg:$0xe] =	wrdreg s24;
	s3 =	sadd.s32 s17, s3  }
0x18: {  	s0 =	sadd.s32 s21, s20;
	[dreg:$0xa] =	wrdreg s12;
	s23 =	sadd.s32 $0x18000, s3  }
0x19: {  	s0 =	sshrl.u32 s0, $0x3;
	s3 =	sadd.s32 $0x18800, s3;
	[dreg:$0xc] =	wrdreg s23  }
0x1a: {  	s21 =	simm.s32 $0x80;
	s0 =	sadd.s32 s0, s17;
	[dreg:$0xd] =	wrdreg s3  }
0x1b: {  	s24 =	simm.s32 $0x6;
	s9 =	simm.s32 $0x0;
	[dreg:$0x10] =	wrdreg s0  }
0x1c: {  	v0 =	vlaneseq.u32;
	s23 =	simm.s32 $0x9CC0;
	s3 =	simm.s32 $0x5;
	s0 =	simm.s32 $0x3  }
.LBB2_1:
0x1d: {  	[dreg:$0x12] =	wrdreg s9  }
0x1e: {  	s4 =	rddreg [dreg:$0x6]  }
0x1f: {  	[tilespmem:s6], [sflag:$0xD] =	stream.linear.gather [hbm4b:s4+s6], $0x1900, $0x38;
	[tilespmem:$0x15CC0] =	vst v63  }
0x20: {  	_ =	swait.ge [sflag:s13], $0x1900  }
0x21: {  	[sflag:s13] =	ssyncset.done $0x0  }
0x22: {  	[sflag:s13] =	ssyncadd.s32 $0xFFFFE700  }
0x23: {  	[tilespmem:s22], [sflag:$0x1] =	stream.indirect.gather [hbm4b:s1+s21], $0x80, s6, s21, $0xb8;
	[tilespmem:$0x15CC0] =	vst v63  }
0x24: {  	_ = 	snop  }
0x25: {  	[tilespmem:s23], [sflag:$0x2] =	stream.indirect.gather [hbm4b:s1+s21], $0x80, s21, s21, $0xb8;
	[tilespmem:$0x15CC0] =	vst v63  }
0x26: {  	s19 =	simm.s32 $0x4AC0;
	s16 =	rddreg [dreg:$0x8]  }
0x27: {  	[tilespmem:s19], [sflag:$0xD] =	stream.linear.gather [hbm4b:s16+s6], $0x800, $0x38;
	[tilespmem:$0x15CC0] =	vst v63  }
0x28: {  	_ =	swait.ge [sflag:s13], $0x800  }
0x29: {  	[sflag:s13] =	ssyncset.done $0x0  }
0x2a: {  	[sflag:s13] =	ssyncadd.s32 $0xFFFFF800  }
0x2b: {  	s26 =	simm.s32 $0x52C0;
	s20 =	rddreg [dreg:$0x2]  }
0x2c: {  	[tilespmem:s26], [sflag:$0xD] =	stream.linear.gather [hbm4b:s20+s6], $0x180, $0x38;
	[tilespmem:$0x15CC0] =	vst v63  }
0x2d: {  	_ =	swait.ge [sflag:s13], $0x180  }
0x2e: {  	[sflag:s13] =	ssyncset.done $0x0  }
0x2f: {  	s15 =	simm.s32 $0x0;
	[sflag:s13] =	ssyncadd.s32 $0xFFFFFE80  }
0x30: {  	s9 =	simm.s32 $0x200;
	v1 =	vld [tilespmem:s15+$0x4AC0]  }
.LBB2_2:
0x31: {  	p0 =	sne.s32 s9, $0x1E00;
	v2 =	vld [tilespmem:$0x52C0];
	_ =	sdelay $0x4  }
0x32: {  	v1 =	vadd.f32 v2, v1;
	_ =	sdelay $0x1  }
0x33: {  	[tilespmem:s15+$0x54C0] =	vst v1;
	v1 =	vld [tilespmem:s15+$0x4AD0]  }
0x34: {  	v2 =	vld [tilespmem:$0x52D0];
	_ =	sdelay $0x4  }
0x35: {  	v1 =	vadd.f32 v2, v1;
	_ =	sdelay $0x1  }
0x36: {  	[tilespmem:s15+$0x54D0] =	vst v1;
	v1 =	vld [tilespmem:s15+$0x4AE0]  }
0x37: {  	v2 =	vld [tilespmem:$0x52E0];
	_ =	sdelay $0x4  }
0x38: {  	v1 =	vadd.f32 v2, v1;
	_ =	sdelay $0x1  }
0x39: {  	[tilespmem:s15+$0x54E0] =	vst v1;
	v1 =	vld [tilespmem:s15+$0x4AF0]  }
0x3a: {  	v2 =	vld [tilespmem:$0x52F0];
	_ =	sdelay $0x4  }
0x3b: {  	v1 =	vadd.f32 v2, v1;
	_ =	sdelay $0x1  }
0x3c: {  	[tilespmem:s15+$0x54F0] =	vst v1;
	v1 =	vld [tilespmem:s15+$0x4B00]  }
0x3d: {  	v2 =	vld [tilespmem:$0x5300];
	_ =	sdelay $0x4  }
0x3e: {  	v1 =	vadd.f32 v2, v1;
	_ =	sdelay $0x1  }
0x3f: {  	[tilespmem:s15+$0x5500] =	vst v1;
	v1 =	vld [tilespmem:s15+$0x4B10]  }
0x40: {  	v2 =	vld [tilespmem:$0x5310];
	_ =	sdelay $0x4  }
0x41: {  	v1 =	vadd.f32 v2, v1;
	_ =	sdelay $0x1  }
0x42: {  	[tilespmem:s15+$0x5510] =	vst v1;
	v1 =	vld [tilespmem:s15+$0x4B20]  }
0x43: {  	v2 =	vld [tilespmem:$0x5320];
	_ =	sdelay $0x4  }
0x44: {  	v1 =	vadd.f32 v2, v1;
	_ =	sdelay $0x1  }
0x45: {  	[tilespmem:s15+$0x5520] =	vst v1;
	v1 =	vld [tilespmem:s15+$0x4B30]  }
0x46: {  	v2 =	vld [tilespmem:$0x5330];
	_ =	sdelay $0x2  }
.Ltmp0:
0x47: {  	(pc) =	sbr.rel @p0 .LBB2_2-.Ltmp0, $4  }
0x48: {  	_ = 	snop  }
0x49: {  	v2 =	vadd.f32 v2, v1  }
0x4a: {  	s12 =	sshra.s32 s9, $0x2  }
0x4b: {  	s9 =	sadd.s32 $0x200, s9;
	v1 =	vld [tilespmem:s12+$0x4AC0];
	[tilespmem:s15+$0x5530] =	vst v2;
	s15 =	smov.u32 s12  }
0x4c: {  	v2 =	vld [tilespmem:$0x52C0];
	_ =	sdelay $0x4  }
0x4d: {  	v1 =	vadd.f32 v2, v1;
	_ =	sdelay $0x1  }
0x4e: {  	[tilespmem:s15+$0x54C0] =	vst v1;
	v1 =	vld [tilespmem:s15+$0x4AD0]  }
0x4f: {  	v2 =	vld [tilespmem:$0x52D0];
	_ =	sdelay $0x4  }
0x50: {  	v1 =	vadd.f32 v2, v1;
	_ =	sdelay $0x1  }
0x51: {  	[tilespmem:s15+$0x54D0] =	vst v1;
	v1 =	vld [tilespmem:s15+$0x4AE0]  }
0x52: {  	v2 =	vld [tilespmem:$0x52E0];
	_ =	sdelay $0x4  }
0x53: {  	v1 =	vadd.f32 v2, v1;
	_ =	sdelay $0x1  }
0x54: {  	[tilespmem:s15+$0x54E0] =	vst v1;
	v1 =	vld [tilespmem:s15+$0x4AF0]  }
0x55: {  	v2 =	vld [tilespmem:$0x52F0];
	_ =	sdelay $0x4  }
0x56: {  	v1 =	vadd.f32 v2, v1;
	_ =	sdelay $0x1  }
0x57: {  	[tilespmem:s15+$0x54F0] =	vst v1;
	v1 =	vld [tilespmem:s15+$0x4B00]  }
0x58: {  	v2 =	vld [tilespmem:$0x5300];
	_ =	sdelay $0x4  }
0x59: {  	v1 =	vadd.f32 v2, v1;
	_ =	sdelay $0x1  }
0x5a: {  	[tilespmem:s15+$0x5500] =	vst v1;
	v1 =	vld [tilespmem:s15+$0x4B10]  }
0x5b: {  	v2 =	vld [tilespmem:$0x5310];
	_ =	sdelay $0x4  }
0x5c: {  	v1 =	vadd.f32 v2, v1;
	_ =	sdelay $0x1  }
0x5d: {  	[tilespmem:s15+$0x5510] =	vst v1;
	v1 =	vld [tilespmem:s15+$0x4B20]  }
0x5e: {  	v2 =	vld [tilespmem:$0x5320];
	_ =	sdelay $0x4  }
0x5f: {  	v1 =	vadd.f32 v2, v1;
	_ =	sdelay $0x1  }
0x60: {  	[tilespmem:s15+$0x5520] =	vst v1;
	v1 =	vld [tilespmem:s15+$0x4B30]  }
0x61: {  	v2 =	vld [tilespmem:$0x5330];
	_ =	sdelay $0x4  }
0x62: {  	v1 =	vadd.f32 v2, v1;
	_ =	sdelay $0x1  }
0x63: {  	s4 =	rddreg [dreg:$0x7];
	[tilespmem:s15+$0x5530] =	vst v1  }
0x64: {  	[spmem:s4] =	stream.linear.scatter [tilespmem:s14], [sflag:$0xD], $0x800, $0x38;
	[tilespmem:$0x15CC0] =	vst v63  }
0x65: {  	_ =	swait.ge [sflag:s13], $0x800  }
0x66: {  	[sflag:s13] =	ssyncset.done $0x0  }
0x67: {  	s15 =	simm.s32 $0x0;
	[sflag:s13] =	ssyncadd.s32 $0xFFFFF800  }
0x68: {  	s9 =	simm.s32 $0x200;
	v1 =	vld [tilespmem:s15+$0x4AC0]  }
.LBB2_4:
0x69: {  	p0 =	sne.s32 s9, $0x1E00;
	v2 =	vld [tilespmem:$0x5340];
	_ =	sdelay $0x4  }
0x6a: {  	v1 =	vadd.f32 v2, v1;
	_ =	sdelay $0x1  }
0x6b: {  	[tilespmem:s15+$0x54C0] =	vst v1;
	v1 =	vld [tilespmem:s15+$0x4AD0]  }
0x6c: {  	v2 =	vld [tilespmem:$0x5350];
	_ =	sdelay $0x4  }
0x6d: {  	v1 =	vadd.f32 v2, v1;
	_ =	sdelay $0x1  }
0x6e: {  	[tilespmem:s15+$0x54D0] =	vst v1;
	v1 =	vld [tilespmem:s15+$0x4AE0]  }
0x6f: {  	v2 =	vld [tilespmem:$0x5360];
	_ =	sdelay $0x4  }
0x70: {  	v1 =	vadd.f32 v2, v1;
	_ =	sdelay $0x1  }
0x71: {  	[tilespmem:s15+$0x54E0] =	vst v1;
	v1 =	vld [tilespmem:s15+$0x4AF0]  }
0x72: {  	v2 =	vld [tilespmem:$0x5370];
	_ =	sdelay $0x4  }
0x73: {  	v1 =	vadd.f32 v2, v1;
	_ =	sdelay $0x1  }
0x74: {  	[tilespmem:s15+$0x54F0] =	vst v1;
	v1 =	vld [tilespmem:s15+$0x4B00]  }
0x75: {  	v2 =	vld [tilespmem:$0x5380];
	_ =	sdelay $0x4  }
0x76: {  	v1 =	vadd.f32 v2, v1;
	_ =	sdelay $0x1  }
0x77: {  	[tilespmem:s15+$0x5500] =	vst v1;
	v1 =	vld [tilespmem:s15+$0x4B10]  }
0x78: {  	v2 =	vld [tilespmem:$0x5390];
	_ =	sdelay $0x4  }
0x79: {  	v1 =	vadd.f32 v2, v1;
	_ =	sdelay $0x1  }
0x7a: {  	[tilespmem:s15+$0x5510] =	vst v1;
	v1 =	vld [tilespmem:s15+$0x4B20]  }
0x7b: {  	v2 =	vld [tilespmem:$0x53A0];
	_ =	sdelay $0x4  }
0x7c: {  	v1 =	vadd.f32 v2, v1;
	_ =	sdelay $0x1  }
0x7d: {  	[tilespmem:s15+$0x5520] =	vst v1;
	v1 =	vld [tilespmem:s15+$0x4B30]  }
0x7e: {  	v2 =	vld [tilespmem:$0x53B0];
	_ =	sdelay $0x2  }
.Ltmp1:
0x7f: {  	(pc) =	sbr.rel @p0 .LBB2_4-.Ltmp1, $4  }
0x80: {  	_ = 	snop  }
0x81: {  	v2 =	vadd.f32 v2, v1  }
0x82: {  	s12 =	sshra.s32 s9, $0x2  }
0x83: {  	s9 =	sadd.s32 $0x200, s9;
	v1 =	vld [tilespmem:s12+$0x4AC0];
	[tilespmem:s15+$0x5530] =	vst v2;
	s15 =	smov.u32 s12  }
0x84: {  	v2 =	vld [tilespmem:$0x5340];
	_ =	sdelay $0x4  }
0x85: {  	v1 =	vadd.f32 v2, v1;
	_ =	sdelay $0x1  }
0x86: {  	[tilespmem:s15+$0x54C0] =	vst v1;
	v1 =	vld [tilespmem:s15+$0x4AD0]  }
0x87: {  	v2 =	vld [tilespmem:$0x5350];
	_ =	sdelay $0x4  }
0x88: {  	v1 =	vadd.f32 v2, v1;
	_ =	sdelay $0x1  }
0x89: {  	[tilespmem:s15+$0x54D0] =	vst v1;
	v1 =	vld [tilespmem:s15+$0x4AE0]  }
0x8a: {  	v2 =	vld [tilespmem:$0x5360];
	_ =	sdelay $0x4  }
0x8b: {  	v1 =	vadd.f32 v2, v1;
	_ =	sdelay $0x1  }
0x8c: {  	[tilespmem:s15+$0x54E0] =	vst v1;
	v1 =	vld [tilespmem:s15+$0x4AF0]  }
0x8d: {  	v2 =	vld [tilespmem:$0x5370];
	_ =	sdelay $0x4  }
0x8e: {  	v1 =	vadd.f32 v2, v1;
	_ =	sdelay $0x1  }
0x8f: {  	[tilespmem:s15+$0x54F0] =	vst v1;
	v1 =	vld [tilespmem:s15+$0x4B00]  }
0x90: {  	v2 =	vld [tilespmem:$0x5380];
	_ =	sdelay $0x4  }
0x91: {  	v1 =	vadd.f32 v2, v1;
	_ =	sdelay $0x1  }
0x92: {  	[tilespmem:s15+$0x5500] =	vst v1;
	v1 =	vld [tilespmem:s15+$0x4B10]  }
0x93: {  	v2 =	vld [tilespmem:$0x5390];
	_ =	sdelay $0x4  }
0x94: {  	v1 =	vadd.f32 v2, v1;
	_ =	sdelay $0x1  }
0x95: {  	[tilespmem:s15+$0x5510] =	vst v1;
	v1 =	vld [tilespmem:s15+$0x4B20]  }
0x96: {  	v2 =	vld [tilespmem:$0x53A0];
	_ =	sdelay $0x4  }
0x97: {  	v1 =	vadd.f32 v2, v1;
	_ =	sdelay $0x1  }
0x98: {  	[tilespmem:s15+$0x5520] =	vst v1;
	v1 =	vld [tilespmem:s15+$0x4B30]  }
0x99: {  	v2 =	vld [tilespmem:$0x53B0];
	_ =	sdelay $0x4  }
0x9a: {  	v1 =	vadd.f32 v2, v1;
	_ =	sdelay $0x1  }
0x9b: {  	s4 =	rddreg [dreg:$0x9];
	[tilespmem:s15+$0x5530] =	vst v1  }
0x9c: {  	[spmem:s4] =	stream.linear.scatter [tilespmem:s14], [sflag:$0xD], $0x800, $0x38;
	[tilespmem:$0x15CC0] =	vst v63  }
0x9d: {  	_ =	swait.ge [sflag:s13], $0x800  }
0x9e: {  	[sflag:s13] =	ssyncset.done $0x0  }
0x9f: {  	s15 =	simm.s32 $0x0;
	[sflag:s13] =	ssyncadd.s32 $0xFFFFF800  }
0xa0: {  	s9 =	simm.s32 $0x200;
	v1 =	vld [tilespmem:s15+$0x4AC0]  }
.LBB2_6:
0xa1: {  	p0 =	sne.s32 s9, $0x1E00;
	v2 =	vld [tilespmem:$0x53C0];
	_ =	sdelay $0x4  }
0xa2: {  	v1 =	vadd.f32 v2, v1;
	_ =	sdelay $0x1  }
0xa3: {  	[tilespmem:s15+$0x54C0] =	vst v1;
	v1 =	vld [tilespmem:s15+$0x4AD0]  }
0xa4: {  	v2 =	vld [tilespmem:$0x53D0];
	_ =	sdelay $0x4  }
0xa5: {  	v1 =	vadd.f32 v2, v1;
	_ =	sdelay $0x1  }
0xa6: {  	[tilespmem:s15+$0x54D0] =	vst v1;
	v1 =	vld [tilespmem:s15+$0x4AE0]  }
0xa7: {  	v2 =	vld [tilespmem:$0x53E0];
	_ =	sdelay $0x4  }
0xa8: {  	v1 =	vadd.f32 v2, v1;
	_ =	sdelay $0x1  }
0xa9: {  	[tilespmem:s15+$0x54E0] =	vst v1;
	v1 =	vld [tilespmem:s15+$0x4AF0]  }
0xaa: {  	v2 =	vld [tilespmem:$0x53F0];
	_ =	sdelay $0x4  }
0xab: {  	v1 =	vadd.f32 v2, v1;
	_ =	sdelay $0x1  }
0xac: {  	[tilespmem:s15+$0x54F0] =	vst v1;
	v1 =	vld [tilespmem:s15+$0x4B00]  }
0xad: {  	v2 =	vld [tilespmem:$0x5400];
	_ =	sdelay $0x4  }
0xae: {  	v1 =	vadd.f32 v2, v1;
	_ =	sdelay $0x1  }
0xaf: {  	[tilespmem:s15+$0x5500] =	vst v1;
	v1 =	vld [tilespmem:s15+$0x4B10]  }
0xb0: {  	v2 =	vld [tilespmem:$0x5410];
	_ =	sdelay $0x4  }
0xb1: {  	v1 =	vadd.f32 v2, v1;
	_ =	sdelay $0x1  }
0xb2: {  	[tilespmem:s15+$0x5510] =	vst v1;
	v1 =	vld [tilespmem:s15+$0x4B20]  }
0xb3: {  	v2 =	vld [tilespmem:$0x5420];
	_ =	sdelay $0x4  }
0xb4: {  	v1 =	vadd.f32 v2, v1;
	_ =	sdelay $0x1  }
0xb5: {  	[tilespmem:s15+$0x5520] =	vst v1;
	v1 =	vld [tilespmem:s15+$0x4B30]  }
0xb6: {  	v2 =	vld [tilespmem:$0x5430];
	_ =	sdelay $0x2  }
.Ltmp2:
0xb7: {  	(pc) =	sbr.rel @p0 .LBB2_6-.Ltmp2, $4  }
0xb8: {  	_ = 	snop  }
0xb9: {  	v2 =	vadd.f32 v2, v1  }
0xba: {  	s12 =	sshra.s32 s9, $0x2  }
0xbb: {  	s9 =	sadd.s32 $0x200, s9;
	v1 =	vld [tilespmem:s12+$0x4AC0];
	[tilespmem:s15+$0x5530] =	vst v2;
	s15 =	smov.u32 s12  }
0xbc: {  	v2 =	vld [tilespmem:$0x53C0];
	_ =	sdelay $0x4  }
0xbd: {  	v1 =	vadd.f32 v2, v1;
	_ =	sdelay $0x1  }
0xbe: {  	[tilespmem:s15+$0x54C0] =	vst v1;
	v1 =	vld [tilespmem:s15+$0x4AD0]  }
0xbf: {  	v2 =	vld [tilespmem:$0x53D0];
	_ =	sdelay $0x4  }
0xc0: {  	v1 =	vadd.f32 v2, v1;
	_ =	sdelay $0x1  }
0xc1: {  	[tilespmem:s15+$0x54D0] =	vst v1;
	v1 =	vld [tilespmem:s15+$0x4AE0]  }
0xc2: {  	v2 =	vld [tilespmem:$0x53E0];
	_ =	sdelay $0x4  }
0xc3: {  	v1 =	vadd.f32 v2, v1;
	_ =	sdelay $0x1  }
0xc4: {  	[tilespmem:s15+$0x54E0] =	vst v1;
	v1 =	vld [tilespmem:s15+$0x4AF0]  }
0xc5: {  	v2 =	vld [tilespmem:$0x53F0];
	_ =	sdelay $0x4  }
0xc6: {  	v1 =	vadd.f32 v2, v1;
	_ =	sdelay $0x1  }
0xc7: {  	[tilespmem:s15+$0x54F0] =	vst v1;
	v1 =	vld [tilespmem:s15+$0x4B00]  }
0xc8: {  	v2 =	vld [tilespmem:$0x5400];
	_ =	sdelay $0x4  }
0xc9: {  	v1 =	vadd.f32 v2, v1;
	_ =	sdelay $0x1  }
0xca: {  	[tilespmem:s15+$0x5500] =	vst v1;
	v1 =	vld [tilespmem:s15+$0x4B10]  }
0xcb: {  	v2 =	vld [tilespmem:$0x5410];
	_ =	sdelay $0x4  }
0xcc: {  	v1 =	vadd.f32 v2, v1;
	_ =	sdelay $0x1  }
0xcd: {  	[tilespmem:s15+$0x5510] =	vst v1;
	v1 =	vld [tilespmem:s15+$0x4B20]  }
0xce: {  	v2 =	vld [tilespmem:$0x5420];
	_ =	sdelay $0x4  }
0xcf: {  	v1 =	vadd.f32 v2, v1;
	_ =	sdelay $0x1  }
0xd0: {  	[tilespmem:s15+$0x5520] =	vst v1;
	v1 =	vld [tilespmem:s15+$0x4B30]  }
0xd1: {  	v2 =	vld [tilespmem:$0x5430];
	_ =	sdelay $0x4  }
0xd2: {  	v1 =	vadd.f32 v2, v1;
	_ =	sdelay $0x1  }
0xd3: {  	s4 =	rddreg [dreg:$0xa];
	s9 =	simm.s32 $0x0;
	[tilespmem:s15+$0x5530] =	vst v1  }
0xd4: {  	[spmem:s4] =	stream.linear.scatter [tilespmem:s14], [sflag:$0xD], $0x800, $0x38;
	[tilespmem:$0x15CC0] =	vst v63  }
0xd5: {  	s12 =	simm.s32 $0x1C00;
	s4 =	sadd.s32 $0x0, s18;
	_ =	swait.ge [sflag:s13], $0x800  }
0xd6: {  	v6 =	vor.u32 s4, v0;
	s14 =	sadd.s32 $0x10, s4;
	s15 =	sadd.s32 $0x20, s4;
	[sflag:s13] =	ssyncset.done $0x0  }
0xd7: {  	s16 =	sadd.s32 $0x40, s4;
	s26 =	rddreg [dreg:$0xb];
	v1 =	vmulhi.u32 $0x51EB851F, v6;
	v7 =	vor.u32 s14, v0;
	[sflag:s13] =	ssyncadd.s32 $0xFFFFF800  }
0xd8: {  	v4 =	vor.u32 s15, v0;
	v9 =	vmulhi.u32 $0x51EB851F, v7;
	[tilespmem:s12], [sflag:$0xD] =	stream.linear.gather [hbm4b:s26+s9], $0x1900, $0x38;
	[tilespmem:$0x15CC0] =	vst v63  }
0xd9: {  	s19 =	sadd.s32 $0x50, s4;
	v8 =	vor.u32 s16, v0;
	v14 =	vmulhi.u32 $0x51EB851F, v4;
	_ =	swait.ge [sflag:s13], $0x1900  }
0xda: {  	s20 =	sadd.s32 $0x60, s4;
	v3 =	vor.u32 s19, v0;
	v15 =	vmulhi.u32 $0x51EB851F, v8;
	[sflag:s13] =	ssyncset.done $0x0  }
0xdb: {  	s15 =	simm.s32 $0x1C40;
	v2 =	vor.u32 s20, v0;
	v16 =	vmulhi.u32 $0x51EB851F, v3;
	s26 =	sadd.s32 $0x70, s4;
	[sflag:s13] =	ssyncadd.s32 $0xFFFFE700  }
0xdc: {  	v17 =	vmulhi.u32 $0x51EB851F, v2;
	s9 =	sadd.s32 $0x30, s4;
	v10 =	vshrl.u32 v1, $0x6;
	v5 =	vor.u32 s26, v0;
	v11 =	vld [tilespmem:s15+$0xFFFFFFC0]  }
0xdd: {  	v1 =	vor.u32 s9, v0;
	v12 =	vmul.u32 $0xC8, v10;
	v21 =	vshrl.u32 v9, $0x6;
	v13 =	vld [tilespmem:s15+$0xFFFFFFD0]  }
0xde: {  	v14 =	vshrl.u32 v14, $0x6;
	v15 =	vshrl.u32 v15, $0x6;
	v18 =	vmulhi.u32 $0x51EB851F, v5;
	v10 =	vld [tilespmem:s15+$0xFFFFFFE0]  }
0xdf: {  	v20 =	vshrl.u32 v16, $0x6;
	v19 =	vshrl.u32 v17, $0x6;
	v17 =	vmul.u32 $0xC8, v21;
	v9 =	vld [tilespmem:s15+$0x0]  }
0xe0: {  	s16 =	simm.s32 $0x1C40;
	s9 =	simm.s32 $0x80;
	v16 =	vmul.u32 $0xC8, v14;
	v14 =	vmul.u32 $0xC8, v15;
	v18 =	vshrl.u32 v18, $0x6;
	v15 =	vld [tilespmem:s15+$0x10]  }
.LBB2_8:
0xe1: {  	p0 =	sne.s32 s9, $0x1880;
	v11 =	vmul.u32 $0xC8, v11;
	v20 =	vmul.u32 $0xC8, v20;
	v21 =	vld [tilespmem:s15+$0x20];
	v19 =	vmul.u32 $0xC8, v19  }
0xe2: {  	v6 =	vsub.s32 v6, v12;
	v18 =	vmul.u32 $0xC8, v18;
	v12 =	vmul.u32 $0xC8, v13;
	v13 =	vld [tilespmem:s15+$0x30]  }
0xe3: {  	v7 =	vsub.s32 v7, v17;
	v6 =	vadd.s32 v6, v11;
	v10 =	vmul.u32 $0xC8, v10;
	v11 =	vld [tilespmem:s15+$0xFFFFFFF0]  }
0xe4: {  	v4 =	vsub.s32 v4, v16;
	[tilespmem:s15+$0xFFFFFFC0] =	vst v6;
	v6 =	vadd.s32 v7, v12;
	v7 =	vmul.u32 $0xC8, v9  }
0xe5: {  	[tilespmem:s15+$0xFFFFFFD0] =	vst v6;
	v4 =	vadd.s32 v4, v10;
	v6 =	vsub.s32 v8, v14;
	v8 =	vmul.u32 $0xC8, v15  }
0xe6: {  	v3 =	vsub.s32 v3, v20;
	[tilespmem:s15+$0xFFFFFFE0] =	vst v4;
	v4 =	vadd.s32 v6, v7;
	v6 =	vmul.u32 $0xC8, v21  }
0xe7: {  	v2 =	vsub.s32 v2, v19;
	[tilespmem:s15+$0x0] =	vst v4;
	v3 =	vadd.s32 v3, v8;
	v4 =	vmul.u32 $0xC8, v13  }
0xe8: {  	s12 =	sadd.s32 s9, s18;
	v8 =	vmulhi.u32 $0x51EB851F, v1;
	[tilespmem:s15+$0x10] =	vst v3;
	v2 =	vadd.s32 v2, v6;
	v3 =	vsub.s32 v5, v18  }
0xe9: {  	s13 =	sadd.s32 $0x10, s12;
	s14 =	sadd.s32 $0x30, s12;
	v6 =	vor.u32 s12, v0;
	v9 =	vmul.u32 $0xC8, v11;
	[tilespmem:s15+$0x20] =	vst v2;
	v2 =	vadd.s32 v3, v4  }
0xea: {  	v10 =	vor.u32 s14, v0;
	v7 =	vor.u32 s13, v0;
	s13 =	sadd.s32 $0x20, s12;
	v5 =	vmulhi.u32 $0x51EB851F, v6;
	[tilespmem:s15+$0x30] =	vst v2  }
0xeb: {  	v14 =	vmulhi.u32 $0x51EB851F, v7;
	v4 =	vor.u32 s13, v0;
	s13 =	sadd.s32 $0x40, s12;
	v2 =	vshrl.u32 v8, $0x6  }
0xec: {  	v15 =	vmulhi.u32 $0x51EB851F, v4;
	v8 =	vor.u32 s13, v0;
	s13 =	sadd.s32 $0x50, s12;
	v11 =	vmul.u32 $0xC8, v2  }
0xed: {  	v16 =	vmulhi.u32 $0x51EB851F, v8;
	v3 =	vor.u32 s13, v0;
	s13 =	sadd.s32 $0x60, s12  }
0xee: {  	s15 =	sadd.s32 $0x80, s15;
	s12 =	sadd.s32 $0x70, s12;
	v17 =	vmulhi.u32 $0x51EB851F, v3;
	v2 =	vor.u32 s13, v0;
	v18 =	vsub.s32 v1, v11;
	v1 =	vmovc v10  }
.Ltmp3:
0xef: {  	v10 =	vshrl.u32 v5, $0x6;
	v19 =	vmulhi.u32 $0x51EB851F, v2;
	v5 =	vor.u32 s12, v0;
	v11 =	vld [tilespmem:s15+$0xFFFFFFC0];
	(pc) =	sbr.rel @p0 .LBB2_8-.Ltmp3, $4  }
0xf0: {  	v12 =	vmul.u32 $0xC8, v10;
	v21 =	vmulhi.u32 $0x51EB851F, v5;
	v9 =	vadd.s32 v18, v9;
	v13 =	vld [tilespmem:s15+$0xFFFFFFD0]  }
0xf1: {  	v14 =	vshrl.u32 v14, $0x6;
	v15 =	vshrl.u32 v15, $0x6;
	v22 =	vshrl.u32 v16, $0x6;
	v10 =	vld [tilespmem:s15+$0xFFFFFFE0];
	[tilespmem:s16+$0xFFFFFFF0] =	vst v9;
	s16 =	smov.u32 s15  }
0xf2: {  	v20 =	vshrl.u32 v17, $0x6;
	v19 =	vshrl.u32 v19, $0x6;
	v18 =	vshrl.u32 v21, $0x6;
	v9 =	vld [tilespmem:s15+$0x0]  }
0xf3: {  	s9 =	sadd.s32 $0x80, s9;
	v16 =	vmul.u32 $0xC8, v15;
	v17 =	vmul.u32 $0xC8, v14;
	v14 =	vmul.u32 $0xC8, v22;
	v15 =	vld [tilespmem:s15+$0x10]  }
0xf4: {  	v11 =	vmul.u32 $0xC8, v11;
	v20 =	vmul.u32 $0xC8, v20;
	v19 =	vmul.u32 $0xC8, v19  }
0xf5: {  	v21 =	vld [tilespmem:s15+$0x20];
	v6 =	vsub.s32 v6, v12;
	v54 =	vmul.u32 $0xC8, v18;
	v59 =	vmulhi.u32 $0x51EB851F, v1  }
0xf6: {  	v55 =	vld [tilespmem:s15+$0x30];
	v53 =	vmul.u32 $0xC8, v13;
	v7 =	vsub.s32 v7, v17;
	v4 =	vsub.s32 v4, v16  }
0xf7: {  	v56 =	vld [tilespmem:s15+$0xFFFFFFF0];
	v57 =	vsub.s32 v8, v14;
	v6 =	vadd.s32 v6, v11;
	v10 =	vmul.u32 $0xC8, v10  }
0xf8: {  	v3 =	vsub.s32 v3, v20;
	v7 =	vadd.s32 v7, v53;
	v9 =	vmul.u32 $0xC8, v9;
	[tilespmem:s15+$0xFFFFFFC0] =	vst v6  }
0xf9: {  	v61 =	vshrl.u32 v59, $0x6;
	v58 =	vmul.u32 $0xC8, v15;
	[tilespmem:s15+$0xFFFFFFD0] =	vst v7;
	v4 =	vadd.s32 v4, v10  }
0xfa: {  	v2 =	vsub.s32 v2, v19;
	v6 =	vadd.s32 v57, v9;
	[tilespmem:s15+$0xFFFFFFE0] =	vst v4;
	v60 =	vmul.u32 $0xC8, v21  }
0xfb: {  	v7 =	vmul.u32 $0xC8, v61;
	v62 =	vmul.u32 $0xC8, v55;
	v3 =	vadd.s32 v3, v58;
	[tilespmem:s15+$0x0] =	vst v6  }
0xfc: {  	v63 =	vmul.u32 $0xC8, v56;
	[tilespmem:s15+$0x10] =	vst v3;
	v2 =	vadd.s32 v2, v60;
	v3 =	vsub.s32 v5, v54  }
0xfd: {  	v1 =	vsub.s32 v1, v7;
	[tilespmem:s15+$0x20] =	vst v2;
	v2 =	vadd.s32 v3, v62  }
0xfe: {  	v1 =	vadd.s32 v1, v63;
	[tilespmem:s15+$0x30] =	vst v2  }
0xff: {  	[tilespmem:s16+$0xFFFFFFF0] =	vst v1  }
0x100: {  	[bflag:$0x0] =	sbarrier.arrive $0xFFFF  }
0x101: {  	_ =	swait.ge [sflag:s29], $0x4000  }
0x102: {  	s9 =	simm.s32 $0x1C00;
	p0 =	por $0x1, $0x1;
	[sflag:s29] =	ssyncset.done $0x0  }
0x103: {  	s12 =	simm.s32 @!p0 $0x2;
	s13 =	simm.s32 @!p0 $0xB;
	[sflag:s29] =	ssyncadd.s32 $0xFFFFC000  }
0x104: {  	[tilespmem:s22], [sflag:$0x5] =	stream.indirect.gather.add.f32 [spmem:s5], $0x80, s9, s21, $0xb8;
	[tilespmem:$0x15CC0] =	vst v63  }
0x105: {  	s12 =	simm.s32 @p0 $0x2;
	_ =	swait.ge @!p0 [sflag:s13], $0x4000  }
0x106: {  	s26 =	sshll.u32 s12, $0x7;
	[sflag:s13] =	ssyncset.done @!p0 $0x0  }
0x107: {  	s12 =	sand.u32 $0x3FFFFF80, s26;
	[sflag:s13] =	ssyncadd.s32 @!p0 $0xFFFFC000  }
0x108: {  	[tilespmem:s31], [sflag:$0x3] =	stream.indirect.gather [hbm4b:s1+s21], $0x80, s12, s21, $0xb8;
	[tilespmem:$0x15CC0] =	vst v63  }
0x109: {  	_ =	swait.ge [sflag:s3], $0x4000  }
0x10a: {  	[sflag:s3] =	ssyncset.done $0x0  }
0x10b: {  	s18 =	rddreg [dreg:$0x10];
	[sflag:s3] =	ssyncadd.s32 $0xFFFFC000  }
0x10c: {  	[hbm4b:s18+s6] =	stream.linear.scatter [tilespmem:s22], [sflag:$0x9], $0x4000, $0x38;
	[tilespmem:$0x15CC0] =	vst v63  }
0x10d: {  	_ =	swait.ge [sflag:s30], $0x4000  }
0x10e: {  	s14 =	simm.s32 @!p0 $0xC;
	[sflag:s30] =	ssyncset.done $0x0  }
0x10f: {  	s15 =	simm.s32 $0x1C80;
	s12 =	simm.s32 $0x3;
	[sflag:s30] =	ssyncadd.s32 $0xFFFFC000  }
0x110: {  	[tilespmem:s23], [sflag:$0x6] =	stream.indirect.gather.add.f32 [spmem:s5], $0x80, s15, s21, $0xb8;
	[tilespmem:$0x15CC0] =	vst v63  }
0x111: {  	s12 =	simm.s32 @p0 $0x3;
	_ =	swait.ge @!p0 [sflag:s14], $0x4000  }
0x112: {  	s12 =	sshll.u32 s12, $0x7;
	[sflag:s14] =	ssyncset.done @!p0 $0x0  }
0x113: {  	s16 =	sand.u32 $0x3FFFFF80, s12;
	[sflag:s14] =	ssyncadd.s32 @!p0 $0xFFFFC000  }
0x114: {  	[tilespmem:s2], [sflag:$0x4] =	stream.indirect.gather [hbm4b:s1+s21], $0x80, s16, s21, $0xb8;
	[tilespmem:$0x15CC0] =	vst v63  }
0x115: {  	_ =	swait.ge [sflag:s24], $0x4000  }
0x116: {  	[sflag:s24] =	ssyncset.done $0x0  }
0x117: {  	s4 =	rddreg [dreg:$0x11];
	[sflag:s24] =	ssyncadd.s32 $0xFFFFC000  }
0x118: {  	[hbm4b:s4+s6] =	stream.linear.scatter [tilespmem:s23], [sflag:$0xA], $0x4000, $0x38;
	[tilespmem:$0x15CC0] =	vst v63  }
0x119: {  	_ =	swait.ge [sflag:s0], $0x4000  }
0x11a: {  	[sflag:s0] =	ssyncset.done $0x0  }
0x11b: {  	s19 =	sadd.s32 $0x1C00, s26;
	[sflag:s0] =	ssyncadd.s32 $0xFFFFC000  }
0x11c: {  	[tilespmem:s31], [sflag:$0x7] =	stream.indirect.gather.add.f32 [spmem:s5], $0x80, s19, s21, $0xb8;
	[tilespmem:$0x15CC0] =	vst v63  }
0x11d: {  	_ =	swait.ge [sflag:s25], $0x4000  }
0x11e: {  	[sflag:s25] =	ssyncset.done $0x0  }
0x11f: {  	s20 =	simm.s32 $0x200;
	[sflag:s25] =	ssyncadd.s32 $0xFFFFC000  }
0x120: {  	[tilespmem:s22], [sflag:$0x1] =	stream.indirect.gather [hbm4b:s1+s21], $0x80, s20, s21, $0xb8;
	[tilespmem:$0x15CC0] =	vst v63  }
0x121: {  	s9 =	sadd.s32 s7, s26;
	_ =	swait.ge [sflag:s28], $0x4000  }
0x122: {  	s9 =	sshll.u32 s9, $0x4;
	[sflag:s28] =	ssyncset.done $0x0  }
0x123: {  	s9 =	sadd.s32 s17, s9;
	[sflag:s28] =	ssyncadd.s32 $0xFFFFC000  }
0x124: {  	[hbm4b:s9+s6] =	stream.linear.scatter [tilespmem:s31], [sflag:$0xB], $0x4000, $0x38;
	[tilespmem:$0x15CC0] =	vst v63  }
0x125: {  	_ =	swait.ge [sflag:s8], $0x4000  }
0x126: {  	s13 =	simm.s32 $0x280;
	[sflag:s8] =	ssyncset.done $0x0  }
0x127: {  	s26 =	sadd.s32 s7, s12;
	s12 =	sadd.s32 $0x1C00, s12;
	[sflag:s8] =	ssyncadd.s32 $0xFFFFC000  }
0x128: {  	[tilespmem:s2], [sflag:$0x8] =	stream.indirect.gather.add.f32 [spmem:s5], $0x80, s12, s21, $0xb8;
	[tilespmem:$0x15CC0] =	vst v63  }
0x129: {  	s15 =	simm.s32 $0x800;
	s16 =	sadd.s32 $0x2000, s4;
	_ =	swait.ge [sflag:s10], $0x4000  }
0x12a: {  	s9 =	simm.s32 $0x7;
	s12 =	sshll.u32 s26, $0x4;
	[sflag:s10] =	ssyncset.done $0x0  }
.LBB2_10:
0x12b: {  	[sflag:s10] =	ssyncadd.s32 $0xFFFFC000;
	s18 =	sadd.s32 $0x2000, s18  }
0x12c: {  	s14 =	smov.u32 s15;
	s15 =	sadd.s32 $0x800, s15;
	s12 =	sadd.s32 s17, s12  }
0x12d: {  	[tilespmem:s23], [sflag:$0x2] =	stream.indirect.gather [hbm4b:s1+s21], $0x80, s13, s21, $0xb8;
	[tilespmem:$0x15CC0] =	vst v63  }
0x12e: {  	s19 =	smov.u32 s9;
	s26 =	sshra.s32 s14, $0x2;
	_ =	swait.ge [sflag:s11], $0x4000  }
0x12f: {  	p1 =	seq.s32 s14, $0x0;
	s13 =	sadd.s32 $0x1C00, s26;
	[sflag:s11] =	ssyncset.done $0x0  }
0x130: {  	s14 =	sadd.s32 @!p1 $0xFFFFFFFF, s9;
	s19 =	simm.s32 @p1 $0x3;
	[sflag:s11] =	ssyncadd.s32 $0xFFFFC000  }
0x131: {  	[hbm4b:s12+s6] =	stream.linear.scatter [tilespmem:s2], [sflag:$0xC], $0x4000, $0x38;
	[tilespmem:$0x15CC0] =	vst v63  }
0x132: {  	s14 =	simm.s32 @p1 $0x2;
	s19 =	sshll.u32 s19, $0x7;
	_ =	swait.ge [sflag:s29], $0x4000  }
0x133: {  	s20 =	sshll.u32 s14, $0x7;
	s12 =	sadd.s32 s7, s19;
	[sflag:s29] =	ssyncset.done $0x0  }
0x134: {  	s4 =	simm.s32 @!p1 $0xB;
	s14 =	sadd.s32 s7, s20;
	[sflag:s29] =	ssyncadd.s32 $0xFFFFC000  }
0x135: {  	[tilespmem:s22], [sflag:$0x5] =	stream.indirect.gather.add.f32 [spmem:s5], $0x80, s13, s21, $0xb8;
	[tilespmem:$0x15CC0] =	vst v63  }
0x136: {  	s14 =	sshll.u32 s14, $0x4;
	s12 =	sshll.u32 s12, $0x4;
	_ =	swait.ge @!p1 [sflag:s4], $0x4000  }
0x137: {  	p0 =	sne.s32 s15, $0x6000;
	s13 =	sadd.s32 $0x280, s26;
	[sflag:s4] =	ssyncset.done @!p1 $0x0  }
0x138: {  	[sflag:s4] =	ssyncadd.s32 @!p1 $0xFFFFC000;
	s4 =	sand.u32 $0x3FFFFF80, s20  }
0x139: {  	[tilespmem:s31], [sflag:$0x3] =	stream.indirect.gather [hbm4b:s1+s21], $0x80, s4, s21, $0xb8;
	[tilespmem:$0x15CC0] =	vst v63  }
0x13a: {  	_ =	swait.ge [sflag:s3], $0x4000  }
0x13b: {  	[sflag:s3] =	ssyncset.done $0x0  }
0x13c: {  	[sflag:s3] =	ssyncadd.s32 $0xFFFFC000  }
0x13d: {  	[hbm4b:s18+s6] =	stream.linear.scatter [tilespmem:s22], [sflag:$0x9], $0x4000, $0x38;
	[tilespmem:$0x15CC0] =	vst v63  }
0x13e: {  	_ =	swait.ge [sflag:s30], $0x4000  }
0x13f: {  	s4 =	sadd.s32 $0x1C80, s26;
	[sflag:s30] =	ssyncset.done $0x0  }
0x140: {  	s22 =	smov.u32 s17;
	s17 =	simm.s32 @!p1 $0xC;
	[sflag:s30] =	ssyncadd.s32 $0xFFFFC000  }
0x141: {  	[tilespmem:s23], [sflag:$0x6] =	stream.indirect.gather.add.f32 [spmem:s5], $0x80, s4, s21, $0xb8;
	[tilespmem:$0x15CC0] =	vst v63  }
0x142: {  	_ =	swait.ge @!p1 [sflag:s17], $0x4000  }
0x143: {  	s4 =	sand.u32 $0x3FFFFF80, s19;
	[sflag:s17] =	ssyncset.done @!p1 $0x0  }
0x144: {  	[sflag:s17] =	ssyncadd.s32 @!p1 $0xFFFFC000;
	s17 =	smov.u32 s22;
	s22 =	simm.s32 $0x5CC0  }
0x145: {  	[tilespmem:s2], [sflag:$0x4] =	stream.indirect.gather [hbm4b:s1+s21], $0x80, s4, s21, $0xb8;
	[tilespmem:$0x15CC0] =	vst v63  }
0x146: {  	_ =	swait.ge [sflag:s24], $0x4000  }
0x147: {  	[sflag:s24] =	ssyncset.done $0x0  }
0x148: {  	[sflag:s24] =	ssyncadd.s32 $0xFFFFC000  }
0x149: {  	[hbm4b:s16+s6] =	stream.linear.scatter [tilespmem:s23], [sflag:$0xA], $0x4000, $0x38;
	[tilespmem:$0x15CC0] =	vst v63  }
0x14a: {  	_ =	swait.ge [sflag:s0], $0x4000  }
0x14b: {  	[sflag:s0] =	ssyncset.done $0x0  }
0x14c: {  	s4 =	sadd.s32 $0x1C00, s20;
	[sflag:s0] =	ssyncadd.s32 $0xFFFFC000  }
0x14d: {  	[tilespmem:s31], [sflag:$0x7] =	stream.indirect.gather.add.f32 [spmem:s5], $0x80, s4, s21, $0xb8;
	[tilespmem:$0x15CC0] =	vst v63  }
0x14e: {  	_ =	swait.ge [sflag:s25], $0x4000  }
0x14f: {  	[sflag:s25] =	ssyncset.done $0x0  }
0x150: {  	s4 =	sadd.s32 $0x200, s26;
	[sflag:s25] =	ssyncadd.s32 $0xFFFFC000  }
0x151: {  	[tilespmem:s22], [sflag:$0x1] =	stream.indirect.gather [hbm4b:s1+s21], $0x80, s4, s21, $0xb8;
	[tilespmem:$0x15CC0] =	vst v63  }
0x152: {  	_ =	swait.ge [sflag:s28], $0x4000  }
0x153: {  	[sflag:s28] =	ssyncset.done $0x0  }
0x154: {  	s4 =	sadd.s32 s17, s14;
	[sflag:s28] =	ssyncadd.s32 $0xFFFFC000  }
0x155: {  	[hbm4b:s4+s6] =	stream.linear.scatter [tilespmem:s31], [sflag:$0xB], $0x4000, $0x38;
	[tilespmem:$0x15CC0] =	vst v63  }
0x156: {  	_ =	swait.ge [sflag:s8], $0x4000  }
.Ltmp4:
0x157: {  	[sflag:s8] =	ssyncset.done $0x0;
	(pc) =	sbr.rel @p0 .LBB2_10-.Ltmp4, $4  }
0x158: {  	s4 =	sadd.s32 $0x1C00, s19;
	[sflag:s8] =	ssyncadd.s32 $0xFFFFC000  }
0x159: {  	[tilespmem:s2], [sflag:$0x8] =	stream.indirect.gather.add.f32 [spmem:s5], $0x80, s4, s21, $0xb8;
	[tilespmem:$0x15CC0] =	vst v63  }
0x15a: {  	_ =	swait.ge [sflag:s10], $0x4000  }
0x15b: {  	s9 =	sadd.s32 $0x4, s9;
	s16 =	sadd.s32 $0x2000, s16;
	[sflag:s10] =	ssyncset.done $0x0  }
0x15c: {  	[sflag:s10] =	ssyncadd.s32 $0xFFFFC000  }
0x15d: {  	[tilespmem:s23], [sflag:$0x2] =	stream.indirect.gather [hbm4b:s1+s21], $0x80, s13, s21, $0xb8;
	[tilespmem:$0x15CC0] =	vst v63  }
0x15e: {  	_ =	swait.ge [sflag:s11], $0x4000  }
0x15f: {  	[sflag:s11] =	ssyncset.done $0x0  }
0x160: {  	s4 =	sadd.s32 s17, s12;
	[sflag:s11] =	ssyncadd.s32 $0xFFFFC000  }
0x161: {  	[hbm4b:s4+s6] =	stream.linear.scatter [tilespmem:s2], [sflag:$0xC], $0x4000, $0x38;
	[tilespmem:$0x15CC0] =	vst v63  }
0x162: {  	_ =	swait.ge [sflag:s29], $0x4000  }
0x163: {  	[sflag:s29] =	ssyncset.done $0x0  }
0x164: {  	s14 =	simm.s32 $0x3400;
	s15 =	simm.s32 $0xB;
	[sflag:s29] =	ssyncadd.s32 $0xFFFFC000  }
0x165: {  	[tilespmem:s22], [sflag:$0x5] =	stream.indirect.gather.add.f32 [spmem:s5], $0x80, s14, s21, $0xb8;
	[tilespmem:$0x15CC0] =	vst v63  }
0x166: {  	_ =	swait.ge [sflag:s15], $0x4000  }
0x167: {  	[sflag:s15] =	ssyncset.done $0x0  }
0x168: {  	[sflag:s15] =	ssyncadd.s32 $0xFFFFC000  }
0x169: {  	_ =	swait.ge [sflag:s3], $0x4000  }
0x16a: {  	[sflag:s3] =	ssyncset.done $0x0  }
0x16b: {  	s16 =	rddreg [dreg:$0xc];
	[sflag:s3] =	ssyncadd.s32 $0xFFFFC000  }
0x16c: {  	[hbm4b:s16+s6] =	stream.linear.scatter [tilespmem:s22], [sflag:$0x9], $0x4000, $0x38;
	[tilespmem:$0x15CC0] =	vst v63  }
0x16d: {  	_ =	swait.ge [sflag:s30], $0x4000  }
0x16e: {  	[sflag:s30] =	ssyncset.done $0x0  }
0x16f: {  	s18 =	simm.s32 $0x3480;
	s19 =	simm.s32 $0xC;
	[sflag:s30] =	ssyncadd.s32 $0xFFFFC000  }
0x170: {  	[tilespmem:s23], [sflag:$0x6] =	stream.indirect.gather.add.f32 [spmem:s5], $0x80, s18, s21, $0xb8;
	[tilespmem:$0x15CC0] =	vst v63  }
0x171: {  	_ =	swait.ge [sflag:s19], $0x4000  }
0x172: {  	[sflag:s19] =	ssyncset.done $0x0  }
0x173: {  	[sflag:s19] =	ssyncadd.s32 $0xFFFFC000  }
0x174: {  	_ =	swait.ge [sflag:s24], $0x4000  }
0x175: {  	[sflag:s24] =	ssyncset.done $0x0  }
0x176: {  	s20 =	rddreg [dreg:$0xd];
	[sflag:s24] =	ssyncadd.s32 $0xFFFFC000  }
0x177: {  	[hbm4b:s20+s6] =	stream.linear.scatter [tilespmem:s23], [sflag:$0xA], $0x4000, $0x38;
	[tilespmem:$0x15CC0] =	vst v63  }
0x178: {  	_ =	swait.ge [sflag:s25], $0x4000  }
0x179: {  	[sflag:s25] =	ssyncset.done $0x0  }
0x17a: {  	[sflag:s25] =	ssyncadd.s32 $0xFFFFC000  }
0x17b: {  	_ =	swait.ge [sflag:s10], $0x4000  }
0x17c: {  	s9 =	rddreg [dreg:$0x12]  }
0x17d: {  	s26 =	rddreg [dreg:$0xe];
	s9 =	sadd.s32 $0x1, s9  }
0x17e: {  	p0 =	sne.s32 s9, s26  }
.Ltmp5:
0x17f: {  	_ = 	snop;
	(pc) =	sbr.rel @p0 .LBB2_1-.Ltmp5, $3  }
0x180: {  	_ =	sdelay $0x1  }
0x181: {  	s13 =	simm.s32 $0xD;
	[sflag:s10] =	ssyncset.done $0x0  }
0x182: {  	s14 =	simm.s32 $0x54C0;
	s18 =	rddreg [dreg:$0xf];
	[sflag:s10] =	ssyncadd.s32 $0xFFFFC000  }
0x183: {  	_ =	sfence.sel $0x180000  }
0x184: {  	[bflag:$0x0] =	sbarrier.arrive $0xFFFF  }
0x185: {  	_ =	strace $0x90000047  }
0x186: {  	s0 =	stileid.u32;
	[bflag:$0x2] =	sbarrier.arrive $0xFFFF  }
0x187: {  	p0 =	sne.s32 s0, $0x0;
	s0 =	rddreg [dreg:$0x5]  }
0x188: {  	s0 =	sadd.s32 @!p0 $0x100000, s0  }
0x189: {  	[sflag:s0] =	ssyncadd.tile.s32 @!p0 $0x1;
	_ =	shalt  }
.Lfunc_end2:
_tile_overlayer_lowered:
.L_overlay_start_2:
0x18a: {  	(tag) =	ssettag $0x2  }
0x18b: {  	s0 =	rddreg [dreg:$0x0];
	s2 =	stileid.u32  }
0x18c: {  	s1 =	rddreg [dreg:$0x1];
	p0 =	sne.s32 s2, $0x0  }
0x18d: {  	s3 =	rddreg [dreg:$0x2];
	[bflag:$0x3] =	sbarrier.arrive $0xFFFF;
	s2 =	simm.s32 @!p0 $0x1C0D  }
0x18e: {  	[timem:s3], [sflag:s2] =	dma.local @!p0 [hbm:s0], s1  }
0x18f: {  	s0 =	simm.s32 @!p0 $0xD  }
0x190: {  	_ =	swait.ge @!p0 [sflag:s0], s1  }
0x191: {  	s1 =	ssub.s32 @!p0 $0x0, s1;
	[sflag:s0] =	ssyncset.done @!p0 $0x0  }
0x192: {  	[sflag:s0] =	ssyncadd.s32 @!p0 s1  }
0x193: {  	[bflag:$0x3] =	sbarrier.arrive $0xFFFF  }
0x194: {  	_ =	shalt  }

</sc_bundles>
